<compile_context>
chip_gen: v7x
topology: tpu7x:2x2x1
jax: 0.10.2.dev20260603
libtpu: 0.0.44.dev20260713+nightly
codegen_flags: <defaults>
</compile_context>

<pallas_src>
import functools

import jax
import jax.numpy as jnp
from jax import lax
from jax.experimental import pallas as pl
from jax.experimental.pallas import tpu as pltpu
from jax.experimental.pallas import tpu_sc as plsc

IN_DIM = 16384
OUT_DIM = 16384
BATCH = 1024

NUM_CORES = 2
NUM_SUBCORES = 16
NUM_WORKERS = NUM_CORES * NUM_SUBCORES
ROWS_PER_WORKER = BATCH // NUM_WORKERS
PAIRS_PER_WORKER = ROWS_PER_WORKER // 2
LANES = 16
GROUPS = OUT_DIM // LANES
CHUNK_W = 2048
CHUNK_GROUPS = CHUNK_W // LANES
NCHUNKS = OUT_DIM // CHUNK_W
UNROLL = 4


_OP_POLY = [
    [0, 0, 0, 0], [0, 0, 0, 1], [0, 1, 0, -1], [0, 1, 0, 0],
    [0, 0, 1, -1], [0, 0, 1, 0], [0, 1, 1, -2], [0, 1, 1, -1],
    [1, -1, -1, 1], [1, -1, -1, 2], [1, 0, -1, 0], [1, 0, -1, 1],
    [1, -1, 0, 0], [1, -1, 0, 1], [1, 0, 0, -1], [1, 0, 0, 0],
]


def _coef_body(w_ref, a_ref, b_ref, c01_ref, c23_ref, ab_ref):
    w = w_ref[...]
    m = jnp.max(w, axis=0, keepdims=True)
    e = jnp.exp(w - m)
    p = e / jnp.sum(e, axis=0, keepdims=True)
    r = [p[i:i + 1, :] for i in range(16)]
    c0 = r[8] + r[9] + r[10] + r[11] + r[12] + r[13] + r[14] + r[15]
    c1 = (r[2] + r[3] + r[6] + r[7]) - (r[8] + r[9] + r[12] + r[13])
    c2 = (r[4] + r[5] + r[6] + r[7]) - (r[8] + r[9] + r[10] + r[11])
    c3 = (r[1] - r[2] - r[4] - 2.0 * r[6] - r[7]
          + r[8] + 2.0 * r[9] + r[11] + r[13] - r[14])

    def pack_pair(lo, hi):
        lo_b = lax.bitcast_convert_type(lo.astype(jnp.bfloat16), jnp.uint16)
        hi_b = lax.bitcast_convert_type(hi.astype(jnp.bfloat16), jnp.uint16)
        word = lax.bitwise_or(lo_b.astype(jnp.uint32),
                              lax.shift_left(hi_b.astype(jnp.uint32),
                                             jnp.uint32(16)))
        return lax.bitcast_convert_type(word, jnp.int32)

    c01_ref[...] = pack_pair(c0, c1)
    c23_ref[...] = pack_pair(c2, c3)
    ab_ref[...] = lax.bitwise_or(a_ref[...], lax.shift_left(b_ref[...], 14))


def _coefficients(weights, a, b):
    c01, c23, ab = pl.pallas_call(
        _coef_body,
        out_shape=[
            jax.ShapeDtypeStruct((1, OUT_DIM), jnp.int32),
            jax.ShapeDtypeStruct((1, OUT_DIM), jnp.int32),
            jax.ShapeDtypeStruct((1, OUT_DIM), jnp.int32),
        ],
    )(weights.T, a.reshape(1, OUT_DIM), b.reshape(1, OUT_DIM))
    return c01.reshape(OUT_DIM), c23.reshape(OUT_DIM), ab.reshape(OUT_DIM)


_HI_MASK = -65536


@functools.partial(
    pl.kernel,
    mesh=plsc.VectorSubcoreMesh(core_axis_name="c", subcore_axis_name="s"),
    out_type=jax.ShapeDtypeStruct((BATCH, OUT_DIM), jnp.float32),
    compiler_params=pltpu.CompilerParams(needs_layout_passes=False),
    scratch_types=[
        pltpu.VMEM((OUT_DIM,), jnp.int32),
        pltpu.VMEM((OUT_DIM,), jnp.int32),
        pltpu.VMEM((OUT_DIM,), jnp.int32),
        pltpu.VMEM((IN_DIM,), jnp.float32),
        pltpu.VMEM((IN_DIM,), jnp.float32),
        pltpu.VMEM((IN_DIM,), jnp.float32),
        pltpu.VMEM((IN_DIM,), jnp.float32),
        pltpu.VMEM((CHUNK_W,), jnp.float32),
        pltpu.VMEM((CHUNK_W,), jnp.float32),
        pltpu.VMEM((CHUNK_W,), jnp.float32),
        pltpu.VMEM((CHUNK_W,), jnp.float32),
        pltpu.SemaphoreType.DMA,
        pltpu.SemaphoreType.DMA,
        pltpu.SemaphoreType.DMA,
        pltpu.SemaphoreType.DMA,
    ],
)
def _sc_gather_combine(x_hbm, ab_hbm, c01_hbm, c23_hbm, out_hbm,
                       ab_v, c01_v, c23_v,
                       x00, x01, x10, x11,
                       o00, o01, o10, o11,
                       in_sem0, in_sem1, out_sem0, out_sem1):
    wid = lax.axis_index("s") * NUM_CORES + lax.axis_index("c")
    base = wid * ROWS_PER_WORKER

    xbufs = ((x00, x01), (x10, x11))
    obufs = ((o00, o10), (o01, o11))
    in_sems = (in_sem0, in_sem1)
    out_sems = (out_sem0, out_sem1)

    def in_copy(pair, buf):
        r0 = base + pair * 2
        return (
            pltpu.make_async_copy(x_hbm.at[r0], xbufs[buf][0], in_sems[buf]),
            pltpu.make_async_copy(x_hbm.at[r0 + 1], xbufs[buf][1], in_sems[buf]),
        )

    def start_in(pair, buf):
        for c in in_copy(pair, buf):
            c.start()

    def wait_in(pair, buf):
        for c in in_copy(pair, buf):
            c.wait()

    const_copies = (
        pltpu.make_async_copy(ab_hbm, ab_v, out_sem0),
        pltpu.make_async_copy(c01_hbm, c01_v, out_sem0),
        pltpu.make_async_copy(c23_hbm, c23_v, out_sem0),
    )
    for c in const_copies:
        c.start()
    start_in(0, 0)
    for c in const_copies:
        c.wait()

    def compute_chunk(xb0, xb1, slot, ch):
        ob0, ob1 = obufs[slot]

        @plsc.parallel_loop(0, CHUNK_GROUPS, unroll=UNROLL)
        def grp_fn(i):
            off = i * LANES
            g = ch * CHUNK_W + off
            pk = ab_v[pl.ds(g, LANES)]
            ia = lax.bitwise_and(pk, 0x3FFF)
            ib = lax.shift_right_logical(pk, 14)
            p01 = c01_v[pl.ds(g, LANES)]
            p23 = c23_v[pl.ds(g, LANES)]
            c0 = lax.bitcast_convert_type(lax.shift_left(p01, 16), jnp.float32)
            c1 = lax.bitcast_convert_type(lax.bitwise_and(p01, _HI_MASK), jnp.float32)
            c2 = lax.bitcast_convert_type(lax.shift_left(p23, 16), jnp.float32)
            c3 = lax.bitcast_convert_type(lax.bitwise_and(p23, _HI_MASK), jnp.float32)
            va0 = plsc.load_gather(xb0, [ia])
            vb0 = plsc.load_gather(xb0, [ib])
            ob0[pl.ds(off, LANES)] = c0 + va0 * (c1 + c3 * vb0) + c2 * vb0
            va1 = plsc.load_gather(xb1, [ia])
            vb1 = plsc.load_gather(xb1, [ib])
            ob1[pl.ds(off, LANES)] = c0 + va1 * (c1 + c3 * vb1) + c2 * vb1

    def out_copies(pair, slot, ch):
        r0 = base + pair * 2
        col = ch * CHUNK_W
        return (
            pltpu.make_async_copy(obufs[slot][0],
                                  out_hbm.at[r0, pl.ds(col, CHUNK_W)],
                                  out_sems[slot]),
            pltpu.make_async_copy(obufs[slot][1],
                                  out_hbm.at[r0 + 1, pl.ds(col, CHUNK_W)],
                                  out_sems[slot]),
        )

    def pair_body(pair, buf):
        if buf == 0:
            start_in(pair + 1, 1)
        else:
            @pl.when(pair + 1 < PAIRS_PER_WORKER)
            def _():
                start_in(pair + 1, 0)
        wait_in(pair, buf)
        xb0, xb1 = xbufs[buf]

        def chunk_phase(ch, slot):
            @pl.when((pair * NCHUNKS + ch) >= 2)
            def _():
                for c in out_copies(pair, slot, ch):
                    c.wait()
            compute_chunk(xb0, xb1, slot, ch)
            for c in out_copies(pair, slot, ch):
                c.start()

        def chunks_fn(k, carry):
            chunk_phase(k * 2, 0)
            chunk_phase(k * 2 + 1, 1)
            return carry

        lax.fori_loop(0, NCHUNKS // 2, chunks_fn, 0)

    def pairs_fn(i, carry):
        pair_body(i * 2, 0)
        pair_body(i * 2 + 1, 1)
        return carry

    lax.fori_loop(0, PAIRS_PER_WORKER // 2, pairs_fn, 0)

    for c in out_copies(PAIRS_PER_WORKER - 1, 0, NCHUNKS - 2):
        c.wait()
    for c in out_copies(PAIRS_PER_WORKER - 1, 1, NCHUNKS - 1):
        c.wait()


def kernel(x, weights, a, b):
    c01, c23, ab = _coefficients(weights, a.astype(jnp.int32),
                                 b.astype(jnp.int32))
    return _sc_gather_combine(x, ab, c01, c23)

# --- scband reference (transcript-rebuilt; emitter-appended) ---
"""Pipeline reference for scband-logic-layer-52063593562999 (READ-ONLY COPY).

The authoritative reference and input builder live on the scoring server;
editing this copy changes nothing except your own understanding.
"""

import jax, jax.numpy as jnp
import numpy as np

IN_DIM = 16384
OUT_DIM = 16384
BATCH = 1024


def setup_inputs(seed: int = 0) -> dict:
    key = jax.random.key(seed)
    k1, k2, k3, k4 = jax.random.split(key, 4)
    x = jax.random.uniform(k1, (BATCH, IN_DIM), dtype=jnp.float32)
    weights = jax.random.normal(k2, (OUT_DIM, 16), dtype=jnp.float32)
    # connections: random indices into the input dimension (original uses randperm(2*out_dim) % in_dim)
    perm = jax.random.permutation(k3, jnp.arange(2 * OUT_DIM, dtype=jnp.int32)) % IN_DIM
    perm = perm.reshape(2, OUT_DIM)
    a = perm[0].astype(jnp.int32)
    b = perm[1].astype(jnp.int32)
    return {"x": x, "weights": weights, "a": a, "b": b}


def _logic_ops(xa, xb):
    ab = xa * xb
    return [
        jnp.zeros_like(ab),              # 0: FALSE
        ab,                              # 1: a AND b
        xa - ab,                         # 2: a AND NOT b
        xa,                              # 3: a
        xb - ab,                         # 4: b AND NOT a
        xb,                              # 5: b
        xa + xb - 2.0 * ab,              # 6: a XOR b
        xa + xb - ab,                    # 7: a OR b
        1.0 - (xa + xb - ab),            # 8: NOR
        1.0 - (xa + xb - 2.0 * ab),      # 9: XNOR
        1.0 - xb,                        # 10: NOT b
        1.0 - xb + ab,                   # 11: a OR NOT b
        1.0 - xa,                        # 12: NOT a
        1.0 - xa + ab,                   # 13: b OR NOT a
        1.0 - ab,                        # 14: NAND
        jnp.ones_like(ab),               # 15: TRUE
    ]


def reference(x, weights, a, b):
    # GradFactor is identity in forward. CUDA kernel works on x^T; math-equivalently
    # we gather per-gate input pairs along the feature axis of [batch, in_dim].
    w = jax.nn.softmax(weights, axis=-1).astype(x.dtype)  # [out_dim, 16]
    xa = jnp.take(x, a, axis=1)  # [batch, out_dim] gather
    xb = jnp.take(x, b, axis=1)  # [batch, out_dim] gather
    ops = _logic_ops(xa, xb)
    out = jnp.zeros_like(xa)
    for i in range(16):
        out = out + ops[i] * w[None, :, i]
    return out  # [batch, out_dim]

if __name__ == "__main__":
    import jax
    _d = setup_inputs()
    print(jax.jit(kernel)(*tuple(_d.values())))

</pallas_src>

<mosaic_0001>
#map = affine_map<(d0, d1) -> (0, 0)>
#map1 = affine_map<(d0, d1) -> (0)>
module attributes {stable_mosaic.version = 14 : i64} {
  func.func @_sc_gather_combine(%arg0: i32, %arg1: i32, %arg2: memref<1024x16384xf32, #tpu.memory_space<hbm>>, %arg3: memref<16384xi32, #tpu.memory_space<hbm>>, %arg4: memref<16384xi32, #tpu.memory_space<hbm>>, %arg5: memref<16384xi32, #tpu.memory_space<hbm>>, %arg6: memref<1024x16384xf32, #tpu.memory_space<hbm>>, %arg7: memref<16384xi32, #tpu.memory_space<vmem>>, %arg8: memref<16384xi32, #tpu.memory_space<vmem>>, %arg9: memref<16384xi32, #tpu.memory_space<vmem>>, %arg10: memref<16384xf32, #tpu.memory_space<vmem>>, %arg11: memref<16384xf32, #tpu.memory_space<vmem>>, %arg12: memref<16384xf32, #tpu.memory_space<vmem>>, %arg13: memref<16384xf32, #tpu.memory_space<vmem>>, %arg14: memref<2048xf32, #tpu.memory_space<vmem>>, %arg15: memref<2048xf32, #tpu.memory_space<vmem>>, %arg16: memref<2048xf32, #tpu.memory_space<vmem>>, %arg17: memref<2048xf32, #tpu.memory_space<vmem>>, %arg18: memref<!tpu.dma_semaphore, #tpu.memory_space<semaphore_mem>>, %arg19: memref<!tpu.dma_semaphore, #tpu.memory_space<semaphore_mem>>, %arg20: memref<!tpu.dma_semaphore, #tpu.memory_space<semaphore_mem>>, %arg21: memref<!tpu.dma_semaphore, #tpu.memory_space<semaphore_mem>>) attributes {dimension_semantics = [#tpu.dimension_semantics<core_parallel>, #tpu.dimension_semantics<subcore_parallel>], iteration_bounds = array<i64: 2, 16>, scalar_prefetch = 0 : i64, scratch_operands = 15 : i64, tpu.core_type = #tpu.core_type<sc_vector_subcore>, window_params = [{transform_indices = #map}, {transform_indices = #map1}, {transform_indices = #map1}, {transform_indices = #map1}, {transform_indices = #map}]} {
    %mul3A = arith.constant 2 : i32
    %mul3A_0 = arith.muli %arg1, %mul3A : i32
    %add3A = arith.addi %mul3A_0, %arg0 : i32
    %mul3A_1 = arith.constant 32 : i32
    %mul3A_2 = arith.muli %add3A, %mul3A_1 : i32
    tpu.enqueue_dma source(%arg3 : memref<16384xi32, #tpu.memory_space<hbm>>) target(%arg7 : memref<16384xi32, #tpu.memory_space<vmem>>) target_semaphore(%arg20 : memref<!tpu.dma_semaphore, #tpu.memory_space<semaphore_mem>>)
    tpu.enqueue_dma source(%arg4 : memref<16384xi32, #tpu.memory_space<hbm>>) target(%arg8 : memref<16384xi32, #tpu.memory_space<vmem>>) target_semaphore(%arg20 : memref<!tpu.dma_semaphore, #tpu.memory_space<semaphore_mem>>)
    tpu.enqueue_dma source(%arg5 : memref<16384xi32, #tpu.memory_space<hbm>>) target(%arg9 : memref<16384xi32, #tpu.memory_space<vmem>>) target_semaphore(%arg20 : memref<!tpu.dma_semaphore, #tpu.memory_space<semaphore_mem>>)
    %add3A_3 = arith.constant 0 : i32
    %add3A_4 = arith.addi %mul3A_2, %add3A_3 : i32
    %add3A_5 = arith.constant 1 : i32
    %add3A_6 = arith.addi %add3A_4, %add3A_5 : i32
    %dma_start3A = arith.constant 0 : i32
    %dma_start3A_7 = tpu.memref_slice %arg2[%add3A_4, %dma_start3A] : memref<1024x16384xf32, #tpu.memory_space<hbm>> -> memref<1x16384xf32, #tpu.memory_space<hbm>>
    %dma_start3A_8 = tpu.memref_squeeze %dma_start3A_7 : memref<1x16384xf32, #tpu.memory_space<hbm>> -> memref<16384xf32, #tpu.memory_space<hbm>>
    %dma_start3A_9 = arith.constant 0 : i32
    %dma_start3A_10 = tpu.memref_slice %arg2[%add3A_4, %dma_start3A_9] : memref<1024x16384xf32, #tpu.memory_space<hbm>> -> memref<1x16384xf32, #tpu.memory_space<hbm>>
    %dma_start3A_11 = tpu.memref_squeeze %dma_start3A_10 : memref<1x16384xf32, #tpu.memory_space<hbm>> -> memref<16384xf32, #tpu.memory_space<hbm>>
    tpu.enqueue_dma source(%dma_start3A_11 : memref<16384xf32, #tpu.memory_space<hbm>>) target(%arg10 : memref<16384xf32, #tpu.memory_space<vmem>>) target_semaphore(%arg18 : memref<!tpu.dma_semaphore, #tpu.memory_space<semaphore_mem>>)
    %dma_start3A_12 = arith.constant 0 : i32
    %dma_start3A_13 = tpu.memref_slice %arg2[%add3A_6, %dma_start3A_12] : memref<1024x16384xf32, #tpu.memory_space<hbm>> -> memref<1x16384xf32, #tpu.memory_space<hbm>>
    %dma_start3A_14 = tpu.memref_squeeze %dma_start3A_13 : memref<1x16384xf32, #tpu.memory_space<hbm>> -> memref<16384xf32, #tpu.memory_space<hbm>>
    %dma_start3A_15 = arith.constant 0 : i32
    %dma_start3A_16 = tpu.memref_slice %arg2[%add3A_6, %dma_start3A_15] : memref<1024x16384xf32, #tpu.memory_space<hbm>> -> memref<1x16384xf32, #tpu.memory_space<hbm>>
    %dma_start3A_17 = tpu.memref_squeeze %dma_start3A_16 : memref<1x16384xf32, #tpu.memory_space<hbm>> -> memref<16384xf32, #tpu.memory_space<hbm>>
    tpu.enqueue_dma source(%dma_start3A_17 : memref<16384xf32, #tpu.memory_space<hbm>>) target(%arg11 : memref<16384xf32, #tpu.memory_space<vmem>>) target_semaphore(%arg18 : memref<!tpu.dma_semaphore, #tpu.memory_space<semaphore_mem>>)
    tpu.wait_dma2 semaphore(%arg20 : memref<!tpu.dma_semaphore, #tpu.memory_space<semaphore_mem>>) src(%arg3 : memref<16384xi32, #tpu.memory_space<hbm>>) dst(%arg7 : memref<16384xi32, #tpu.memory_space<vmem>>)
    tpu.wait_dma2 semaphore(%arg20 : memref<!tpu.dma_semaphore, #tpu.memory_space<semaphore_mem>>) src(%arg4 : memref<16384xi32, #tpu.memory_space<hbm>>) dst(%arg8 : memref<16384xi32, #tpu.memory_space<vmem>>)
    tpu.wait_dma2 semaphore(%arg20 : memref<!tpu.dma_semaphore, #tpu.memory_space<semaphore_mem>>) src(%arg5 : memref<16384xi32, #tpu.memory_space<hbm>>) dst(%arg9 : memref<16384xi32, #tpu.memory_space<vmem>>)
    %scan3A = arith.constant 0 : i32
    %scan3A_18 = arith.constant 0 : i32
    %scan3A_19 = arith.constant 8 : i32
    %scan3A_20 = arith.addi %scan3A_18, %scan3A_19 : i32
    %scan3A_21 = arith.constant 1 : i32
    scf.for %scan3A_54 = %scan3A_18 to %scan3A_20 step %scan3A_21  : i32 {
      %mul3A_55 = arith.constant 2 : i32
      %mul3A_56 = arith.muli %scan3A_54, %mul3A_55 : i32
      %add3A_57 = arith.constant 1 : i32
      %add3A_58 = arith.addi %mul3A_56, %add3A_57 : i32
      %mul3A_59 = arith.constant 2 : i32
      %mul3A_60 = arith.muli %add3A_58, %mul3A_59 : i32
      %add3A_61 = arith.addi %mul3A_2, %mul3A_60 : i32
      %add3A_62 = arith.constant 1 : i32
      %add3A_63 = arith.addi %add3A_61, %add3A_62 : i32
      %dma_start3A_64 = arith.constant 0 : i32
      %dma_start3A_65 = tpu.memref_slice %arg2[%add3A_61, %dma_start3A_64] : memref<1024x16384xf32, #tpu.memory_space<hbm>> -> memref<1x16384xf32, #tpu.memory_space<hbm>>
      %dma_start3A_66 = tpu.memref_squeeze %dma_start3A_65 : memref<1x16384xf32, #tpu.memory_space<hbm>> -> memref<16384xf32, #tpu.memory_space<hbm>>
      %dma_start3A_67 = arith.constant 0 : i32
      %dma_start3A_68 = tpu.memref_slice %arg2[%add3A_61, %dma_start3A_67] : memref<1024x16384xf32, #tpu.memory_space<hbm>> -> memref<1x16384xf32, #tpu.memory_space<hbm>>
      %dma_start3A_69 = tpu.memref_squeeze %dma_start3A_68 : memref<1x16384xf32, #tpu.memory_space<hbm>> -> memref<16384xf32, #tpu.memory_space<hbm>>
      tpu.enqueue_dma source(%dma_start3A_69 : memref<16384xf32, #tpu.memory_space<hbm>>) target(%arg12 : memref<16384xf32, #tpu.memory_space<vmem>>) target_semaphore(%arg19 : memref<!tpu.dma_semaphore, #tpu.memory_space<semaphore_mem>>)
      %dma_start3A_70 = arith.constant 0 : i32
      %dma_start3A_71 = tpu.memref_slice %arg2[%add3A_63, %dma_start3A_70] : memref<1024x16384xf32, #tpu.memory_space<hbm>> -> memref<1x16384xf32, #tpu.memory_space<hbm>>
      %dma_start3A_72 = tpu.memref_squeeze %dma_start3A_71 : memref<1x16384xf32, #tpu.memory_space<hbm>> -> memref<16384xf32, #tpu.memory_space<hbm>>
      %dma_start3A_73 = arith.constant 0 : i32
      %dma_start3A_74 = tpu.memref_slice %arg2[%add3A_63, %dma_start3A_73] : memref<1024x16384xf32, #tpu.memory_space<hbm>> -> memref<1x16384xf32, #tpu.memory_space<hbm>>
      %dma_start3A_75 = tpu.memref_squeeze %dma_start3A_74 : memref<1x16384xf32, #tpu.memory_space<hbm>> -> memref<16384xf32, #tpu.memory_space<hbm>>
      tpu.enqueue_dma source(%dma_start3A_75 : memref<16384xf32, #tpu.memory_space<hbm>>) target(%arg13 : memref<16384xf32, #tpu.memory_space<vmem>>) target_semaphore(%arg19 : memref<!tpu.dma_semaphore, #tpu.memory_space<semaphore_mem>>)
      %mul3A_76 = arith.constant 2 : i32
      %mul3A_77 = arith.muli %mul3A_56, %mul3A_76 : i32
      %add3A_78 = arith.addi %mul3A_2, %mul3A_77 : i32
      %add3A_79 = arith.constant 1 : i32
      %add3A_80 = arith.addi %add3A_78, %add3A_79 : i32
      %dma_wait3A_81 = arith.constant 0 : i32
      %dma_wait3A_82 = tpu.memref_slice %arg2[%add3A_78, %dma_wait3A_81] : memref<1024x16384xf32, #tpu.memory_space<hbm>> -> memref<1x16384xf32, #tpu.memory_space<hbm>>
      %dma_wait3A_83 = tpu.memref_squeeze %dma_wait3A_82 : memref<1x16384xf32, #tpu.memory_space<hbm>> -> memref<16384xf32, #tpu.memory_space<hbm>>
      %dma_wait3A_84 = arith.constant 0 : i32
      %dma_wait3A_85 = tpu.memref_slice %arg2[%add3A_78, %dma_wait3A_84] : memref<1024x16384xf32, #tpu.memory_space<hbm>> -> memref<1x16384xf32, #tpu.memory_space<hbm>>
      %dma_wait3A_86 = tpu.memref_squeeze %dma_wait3A_85 : memref<1x16384xf32, #tpu.memory_space<hbm>> -> memref<16384xf32, #tpu.memory_space<hbm>>
      tpu.wait_dma2 semaphore(%arg18 : memref<!tpu.dma_semaphore, #tpu.memory_space<semaphore_mem>>) src(%dma_wait3A_86 : memref<16384xf32, #tpu.memory_space<hbm>>) dst(%arg10 : memref<16384xf32, #tpu.memory_space<vmem>>)
      %dma_wait3A_87 = arith.constant 0 : i32
      %dma_wait3A_88 = tpu.memref_slice %arg2[%add3A_80, %dma_wait3A_87] : memref<1024x16384xf32, #tpu.memory_space<hbm>> -> memref<1x16384xf32, #tpu.memory_space<hbm>>
      %dma_wait3A_89 = tpu.memref_squeeze %dma_wait3A_88 : memref<1x16384xf32, #tpu.memory_space<hbm>> -> memref<16384xf32, #tpu.memory_space<hbm>>
      %dma_wait3A_90 = arith.constant 0 : i32
      %dma_wait3A_91 = tpu.memref_slice %arg2[%add3A_80, %dma_wait3A_90] : memref<1024x16384xf32, #tpu.memory_space<hbm>> -> memref<1x16384xf32, #tpu.memory_space<hbm>>
      %dma_wait3A_92 = tpu.memref_squeeze %dma_wait3A_91 : memref<1x16384xf32, #tpu.memory_space<hbm>> -> memref<16384xf32, #tpu.memory_space<hbm>>
      tpu.wait_dma2 semaphore(%arg18 : memref<!tpu.dma_semaphore, #tpu.memory_space<semaphore_mem>>) src(%dma_wait3A_92 : memref<16384xf32, #tpu.memory_space<hbm>>) dst(%arg11 : memref<16384xf32, #tpu.memory_space<vmem>>)
      %scan3A_93 = arith.constant 0 : i32
      %scan3A_94 = arith.constant 0 : i32
      %scan3A_95 = arith.constant 4 : i32
      %scan3A_96 = arith.addi %scan3A_94, %scan3A_95 : i32
      %scan3A_97 = arith.constant 1 : i32
      scf.for %scan3A_130 = %scan3A_94 to %scan3A_96 step %scan3A_97  : i32 {
        %mul3A_131 = arith.constant 2 : i32
        %mul3A_132 = arith.muli %scan3A_130, %mul3A_131 : i32
        %mul3A_133 = arith.constant 8 : i32
        %mul3A_134 = arith.muli %mul3A_56, %mul3A_133 : i32
        %add3A_135 = arith.addi %mul3A_134, %mul3A_132 : i32
        %ge3A = arith.constant 2 : i32
        %ge3A_136 = arith.cmpi sge, %add3A_135, %ge3A : i32
        %convert_element_type3A_137 = arith.extui %ge3A_136 : i1 to i32
        %cond3A_138 = arith.constant 0 : i32
        %cond3A_139 = arith.cmpi ne, %convert_element_type3A_137, %cond3A_138 : i32
        scf.if %cond3A_139 {
          %mul3A_187 = arith.constant 2 : i32
          %mul3A_188 = arith.muli %mul3A_56, %mul3A_187 : i32
          %add3A_189 = arith.addi %mul3A_2, %mul3A_188 : i32
          %mul3A_190 = arith.constant 2048 : i32
          %mul3A_191 = arith.muli %mul3A_132, %mul3A_190 : i32
          %add3A_192 = arith.constant 1 : i32
          %add3A_193 = arith.addi %add3A_189, %add3A_192 : i32
          %dma_wait3A_194 = tpu.memref_slice %arg6[%add3A_189, %mul3A_191] : memref<1024x16384xf32, #tpu.memory_space<hbm>> -> memref<1x2048xf32, #tpu.memory_space<hbm>>
          %dma_wait3A_195 = tpu.memref_squeeze %dma_wait3A_194 : memref<1x2048xf32, #tpu.memory_space<hbm>> -> memref<2048xf32, #tpu.memory_space<hbm>>
          %dma_wait3A_196 = tpu.memref_slice %arg6[%add3A_189, %mul3A_191] : memref<1024x16384xf32, #tpu.memory_space<hbm>> -> memref<1x2048xf32, #tpu.memory_space<hbm>>
          %dma_wait3A_197 = tpu.memref_squeeze %dma_wait3A_196 : memref<1x2048xf32, #tpu.memory_space<hbm>> -> memref<2048xf32, #tpu.memory_space<hbm>>
          tpu.wait_dma2 semaphore(%arg20 : memref<!tpu.dma_semaphore, #tpu.memory_space<semaphore_mem>>) src(%arg14 : memref<2048xf32, #tpu.memory_space<vmem>>) dst(%dma_wait3A_197 : memref<2048xf32, #tpu.memory_space<hbm>>)
          %dma_wait3A_198 = tpu.memref_slice %arg6[%add3A_193, %mul3A_191] : memref<1024x16384xf32, #tpu.memory_space<hbm>> -> memref<1x2048xf32, #tpu.memory_space<hbm>>
          %dma_wait3A_199 = tpu.memref_squeeze %dma_wait3A_198 : memref<1x2048xf32, #tpu.memory_space<hbm>> -> memref<2048xf32, #tpu.memory_space<hbm>>
          %dma_wait3A_200 = tpu.memref_slice %arg6[%add3A_193, %mul3A_191] : memref<1024x16384xf32, #tpu.memory_space<hbm>> -> memref<1x2048xf32, #tpu.memory_space<hbm>>
          %dma_wait3A_201 = tpu.memref_squeeze %dma_wait3A_200 : memref<1x2048xf32, #tpu.memory_space<hbm>> -> memref<2048xf32, #tpu.memory_space<hbm>>
          tpu.wait_dma2 semaphore(%arg20 : memref<!tpu.dma_semaphore, #tpu.memory_space<semaphore_mem>>) src(%arg16 : memref<2048xf32, #tpu.memory_space<vmem>>) dst(%dma_wait3A_201 : memref<2048xf32, #tpu.memory_space<hbm>>)
        } else {
        }
        %parallel_loop3A = arith.constant 0 : i32
        %parallel_loop3A_140 = arith.constant 128 : i32
        %parallel_loop3A_141 = arith.constant 1 : i32
        scf.for %parallel_loop3A_187 = %parallel_loop3A to %parallel_loop3A_140 step %parallel_loop3A_141  : i32 {
          %parallel_loop3A_188 = arith.constant 16 : i32
          %parallel_loop3A_189 = arith.muli %parallel_loop3A_187, %parallel_loop3A_188 : i32
          %parallel_loop3A_190 = arith.constant 2048 : i32
          %parallel_loop3A_191 = arith.muli %mul3A_132, %parallel_loop3A_190 : i32
          %parallel_loop3A_192 = arith.addi %parallel_loop3A_191, %parallel_loop3A_189 : i32
          %parallel_loop3A_193 = arith.index_cast %parallel_loop3A_192 : i32 to index
          %parallel_loop3A_194 = tpu.vector_load %arg7[%parallel_loop3A_193] {strides = array<i32>} : memref<16384xi32, #tpu.memory_space<vmem>>, vector<16xi32>,
          %parallel_loop3A_195 = arith.constant 16383 : i32
          %parallel_loop3A_196 = vector.broadcast %parallel_loop3A_195 : i32 to vector<16xi32>
          %parallel_loop3A_197 = arith.andi %parallel_loop3A_194, %parallel_loop3A_196 : vector<16xi32>
          %parallel_loop3A_198 = arith.constant 14 : i32
          %parallel_loop3A_199 = vector.broadcast %parallel_loop3A_198 : i32 to vector<16xi32>
          %parallel_loop3A_200 = arith.shrui %parallel_loop3A_194, %parallel_loop3A_199 : vector<16xi32>
          %parallel_loop3A_201 = arith.index_cast %parallel_loop3A_192 : i32 to index
          %parallel_loop3A_202 = tpu.vector_load %arg8[%parallel_loop3A_201] {strides = array<i32>} : memref<16384xi32, #tpu.memory_space<vmem>>, vector<16xi32>,
          %parallel_loop3A_203 = arith.index_cast %parallel_loop3A_192 : i32 to index
          %parallel_loop3A_204 = tpu.vector_load %arg9[%parallel_loop3A_203] {strides = array<i32>} : memref<16384xi32, #tpu.memory_space<vmem>>, vector<16xi32>,
          %parallel_loop3A_205 = arith.constant 16 : i32
          %parallel_loop3A_206 = vector.broadcast %parallel_loop3A_205 : i32 to vector<16xi32>
          %parallel_loop3A_207 = arith.shli %parallel_loop3A_202, %parallel_loop3A_206 : vector<16xi32>
          %parallel_loop3A_208 = tpu.bitcast %parallel_loop3A_207 : vector<16xi32> -> vector<16xf32>
          %parallel_loop3A_209 = arith.constant -65536 : i32
          %parallel_loop3A_210 = vector.broadcast %parallel_loop3A_209 : i32 to vector<16xi32>
          %parallel_loop3A_211 = arith.andi %parallel_loop3A_202, %parallel_loop3A_210 : vector<16xi32>
          %parallel_loop3A_212 = tpu.bitcast %parallel_loop3A_211 : vector<16xi32> -> vector<16xf32>
          %parallel_loop3A_213 = arith.constant 16 : i32
          %parallel_loop3A_214 = vector.broadcast %parallel_loop3A_213 : i32 to vector<16xi32>
          %parallel_loop3A_215 = arith.shli %parallel_loop3A_204, %parallel_loop3A_214 : vector<16xi32>
          %parallel_loop3A_216 = tpu.bitcast %parallel_loop3A_215 : vector<16xi32> -> vector<16xf32>
          %parallel_loop3A_217 = arith.constant -65536 : i32
          %parallel_loop3A_218 = vector.broadcast %parallel_loop3A_217 : i32 to vector<16xi32>
          %parallel_loop3A_219 = arith.andi %parallel_loop3A_204, %parallel_loop3A_218 : vector<16xi32>
          %parallel_loop3A_220 = tpu.bitcast %parallel_loop3A_219 : vector<16xi32> -> vector<16xf32>
          %parallel_loop3A_221 = tpu.vector_load_idx %arg10[%parallel_loop3A_197] : memref<16384xf32, #tpu.memory_space<vmem>>[vector<16xi32>], vector<16xf32>,
          %parallel_loop3A_222 = tpu.vector_load_idx %arg10[%parallel_loop3A_200] : memref<16384xf32, #tpu.memory_space<vmem>>[vector<16xi32>], vector<16xf32>,
          %parallel_loop3A_223 = arith.mulf %parallel_loop3A_220, %parallel_loop3A_222 : vector<16xf32>
          %parallel_loop3A_224 = arith.addf %parallel_loop3A_212, %parallel_loop3A_223 : vector<16xf32>
          %parallel_loop3A_225 = arith.mulf %parallel_loop3A_221, %parallel_loop3A_224 : vector<16xf32>
          %parallel_loop3A_226 = arith.addf %parallel_loop3A_208, %parallel_loop3A_225 : vector<16xf32>
          %parallel_loop3A_227 = arith.mulf %parallel_loop3A_216, %parallel_loop3A_222 : vector<16xf32>
          %parallel_loop3A_228 = arith.addf %parallel_loop3A_226, %parallel_loop3A_227 : vector<16xf32>
          %parallel_loop3A_229 = arith.index_cast %parallel_loop3A_189 : i32 to index
          %parallel_loop3A_230 = tpu.vector_load %arg14[%parallel_loop3A_229] {strides = array<i32>} : memref<2048xf32, #tpu.memory_space<vmem>>, vector<16xf32>,
          tpu.vector_store %arg14[%parallel_loop3A_229], %parallel_loop3A_228 {strides = array<i32>} : memref<2048xf32, #tpu.memory_space<vmem>>, vector<16xf32>,
          %parallel_loop3A_231 = tpu.vector_load_idx %arg11[%parallel_loop3A_197] : memref<16384xf32, #tpu.memory_space<vmem>>[vector<16xi32>], vector<16xf32>,
          %parallel_loop3A_232 = tpu.vector_load_idx %arg11[%parallel_loop3A_200] : memref<16384xf32, #tpu.memory_space<vmem>>[vector<16xi32>], vector<16xf32>,
          %parallel_loop3A_233 = arith.mulf %parallel_loop3A_220, %parallel_loop3A_232 : vector<16xf32>
          %parallel_loop3A_234 = arith.addf %parallel_loop3A_212, %parallel_loop3A_233 : vector<16xf32>
          %parallel_loop3A_235 = arith.mulf %parallel_loop3A_231, %parallel_loop3A_234 : vector<16xf32>
          %parallel_loop3A_236 = arith.addf %parallel_loop3A_208, %parallel_loop3A_235 : vector<16xf32>
          %parallel_loop3A_237 = arith.mulf %parallel_loop3A_216, %parallel_loop3A_232 : vector<16xf32>
          %parallel_loop3A_238 = arith.addf %parallel_loop3A_236, %parallel_loop3A_237 : vector<16xf32>
          %parallel_loop3A_239 = arith.index_cast %parallel_loop3A_189 : i32 to index
          %parallel_loop3A_240 = tpu.vector_load %arg16[%parallel_loop3A_239] {strides = array<i32>} : memref<2048xf32, #tpu.memory_space<vmem>>, vector<16xf32>,
          tpu.vector_store %arg16[%parallel_loop3A_239], %parallel_loop3A_238 {strides = array<i32>} : memref<2048xf32, #tpu.memory_space<vmem>>, vector<16xf32>,
        } {sc.loop_unroll_factor = 4 : i64, sc.parallel_access}
        %mul3A_142 = arith.constant 2 : i32
        %mul3A_143 = arith.muli %mul3A_56, %mul3A_142 : i32
        %add3A_144 = arith.addi %mul3A_2, %mul3A_143 : i32
        %mul3A_145 = arith.constant 2048 : i32
        %mul3A_146 = arith.muli %mul3A_132, %mul3A_145 : i32
        %add3A_147 = arith.constant 1 : i32
        %add3A_148 = arith.addi %add3A_144, %add3A_147 : i32
        %dma_start3A_149 = tpu.memref_slice %arg6[%add3A_144, %mul3A_146] : memref<1024x16384xf32, #tpu.memory_space<hbm>> -> memref<1x2048xf32, #tpu.memory_space<hbm>>
        %dma_start3A_150 = tpu.memref_squeeze %dma_start3A_149 : memref<1x2048xf32, #tpu.memory_space<hbm>> -> memref<2048xf32, #tpu.memory_space<hbm>>
        %dma_start3A_151 = tpu.memref_slice %arg6[%add3A_144, %mul3A_146] : memref<1024x16384xf32, #tpu.memory_space<hbm>> -> memref<1x2048xf32, #tpu.memory_space<hbm>>
        %dma_start3A_152 = tpu.memref_squeeze %dma_start3A_151 : memref<1x2048xf32, #tpu.memory_space<hbm>> -> memref<2048xf32, #tpu.memory_space<hbm>>
        tpu.enqueue_dma source(%arg14 : memref<2048xf32, #tpu.memory_space<vmem>>) target(%dma_start3A_152 : memref<2048xf32, #tpu.memory_space<hbm>>) target_semaphore(%arg20 : memref<!tpu.dma_semaphore, #tpu.memory_space<semaphore_mem>>)
        %dma_start3A_153 = tpu.memref_slice %arg6[%add3A_148, %mul3A_146] : memref<1024x16384xf32, #tpu.memory_space<hbm>> -> memref<1x2048xf32, #tpu.memory_space<hbm>>
        %dma_start3A_154 = tpu.memref_squeeze %dma_start3A_153 : memref<1x2048xf32, #tpu.memory_space<hbm>> -> memref<2048xf32, #tpu.memory_space<hbm>>
        %dma_start3A_155 = tpu.memref_slice %arg6[%add3A_148, %mul3A_146] : memref<1024x16384xf32, #tpu.memory_space<hbm>> -> memref<1x2048xf32, #tpu.memory_space<hbm>>
        %dma_start3A_156 = tpu.memref_squeeze %dma_start3A_155 : memref<1x2048xf32, #tpu.memory_space<hbm>> -> memref<2048xf32, #tpu.memory_space<hbm>>
        tpu.enqueue_dma source(%arg16 : memref<2048xf32, #tpu.memory_space<vmem>>) target(%dma_start3A_156 : memref<2048xf32, #tpu.memory_space<hbm>>) target_semaphore(%arg20 : memref<!tpu.dma_semaphore, #tpu.memory_space<semaphore_mem>>)
        %mul3A_157 = arith.constant 2 : i32
        %mul3A_158 = arith.muli %scan3A_130, %mul3A_157 : i32
        %add3A_159 = arith.constant 1 : i32
        %add3A_160 = arith.addi %mul3A_158, %add3A_159 : i32
        %mul3A_161 = arith.constant 8 : i32
        %mul3A_162 = arith.muli %mul3A_56, %mul3A_161 : i32
        %add3A_163 = arith.addi %mul3A_162, %add3A_160 : i32
        %ge3A_164 = arith.constant 2 : i32
        %ge3A_165 = arith.cmpi sge, %add3A_163, %ge3A_164 : i32
        %convert_element_type3A_166 = arith.extui %ge3A_165 : i1 to i32
        %cond3A_167 = arith.constant 0 : i32
        %cond3A_168 = arith.cmpi ne, %convert_element_type3A_166, %cond3A_167 : i32
        scf.if %cond3A_168 {
          %mul3A_187 = arith.constant 2 : i32
          %mul3A_188 = arith.muli %mul3A_56, %mul3A_187 : i32
          %add3A_189 = arith.addi %mul3A_2, %mul3A_188 : i32
          %mul3A_190 = arith.constant 2048 : i32
          %mul3A_191 = arith.muli %add3A_160, %mul3A_190 : i32
          %add3A_192 = arith.constant 1 : i32
          %add3A_193 = arith.addi %add3A_189, %add3A_192 : i32
          %dma_wait3A_194 = tpu.memref_slice %arg6[%add3A_189, %mul3A_191] : memref<1024x16384xf32, #tpu.memory_space<hbm>> -> memref<1x2048xf32, #tpu.memory_space<hbm>>
          %dma_wait3A_195 = tpu.memref_squeeze %dma_wait3A_194 : memref<1x2048xf32, #tpu.memory_space<hbm>> -> memref<2048xf32, #tpu.memory_space<hbm>>
          %dma_wait3A_196 = tpu.memref_slice %arg6[%add3A_189, %mul3A_191] : memref<1024x16384xf32, #tpu.memory_space<hbm>> -> memref<1x2048xf32, #tpu.memory_space<hbm>>
          %dma_wait3A_197 = tpu.memref_squeeze %dma_wait3A_196 : memref<1x2048xf32, #tpu.memory_space<hbm>> -> memref<2048xf32, #tpu.memory_space<hbm>>
          tpu.wait_dma2 semaphore(%arg21 : memref<!tpu.dma_semaphore, #tpu.memory_space<semaphore_mem>>) src(%arg15 : memref<2048xf32, #tpu.memory_space<vmem>>) dst(%dma_wait3A_197 : memref<2048xf32, #tpu.memory_space<hbm>>)
          %dma_wait3A_198 = tpu.memref_slice %arg6[%add3A_193, %mul3A_191] : memref<1024x16384xf32, #tpu.memory_space<hbm>> -> memref<1x2048xf32, #tpu.memory_space<hbm>>
          %dma_wait3A_199 = tpu.memref_squeeze %dma_wait3A_198 : memref<1x2048xf32, #tpu.memory_space<hbm>> -> memref<2048xf32, #tpu.memory_space<hbm>>
          %dma_wait3A_200 = tpu.memref_slice %arg6[%add3A_193, %mul3A_191] : memref<1024x16384xf32, #tpu.memory_space<hbm>> -> memref<1x2048xf32, #tpu.memory_space<hbm>>
          %dma_wait3A_201 = tpu.memref_squeeze %dma_wait3A_200 : memref<1x2048xf32, #tpu.memory_space<hbm>> -> memref<2048xf32, #tpu.memory_space<hbm>>
          tpu.wait_dma2 semaphore(%arg21 : memref<!tpu.dma_semaphore, #tpu.memory_space<semaphore_mem>>) src(%arg17 : memref<2048xf32, #tpu.memory_space<vmem>>) dst(%dma_wait3A_201 : memref<2048xf32, #tpu.memory_space<hbm>>)
        } else {
        }
        %parallel_loop3A_169 = arith.constant 0 : i32
        %parallel_loop3A_170 = arith.constant 128 : i32
        %parallel_loop3A_171 = arith.constant 1 : i32
        scf.for %parallel_loop3A_187 = %parallel_loop3A_169 to %parallel_loop3A_170 step %parallel_loop3A_171  : i32 {
          %parallel_loop3A_188 = arith.constant 16 : i32
          %parallel_loop3A_189 = arith.muli %parallel_loop3A_187, %parallel_loop3A_188 : i32
          %parallel_loop3A_190 = arith.constant 2048 : i32
          %parallel_loop3A_191 = arith.muli %add3A_160, %parallel_loop3A_190 : i32
          %parallel_loop3A_192 = arith.addi %parallel_loop3A_191, %parallel_loop3A_189 : i32
          %parallel_loop3A_193 = arith.index_cast %parallel_loop3A_192 : i32 to index
          %parallel_loop3A_194 = tpu.vector_load %arg7[%parallel_loop3A_193] {strides = array<i32>} : memref<16384xi32, #tpu.memory_space<vmem>>, vector<16xi32>,
          %parallel_loop3A_195 = arith.constant 16383 : i32
          %parallel_loop3A_196 = vector.broadcast %parallel_loop3A_195 : i32 to vector<16xi32>
          %parallel_loop3A_197 = arith.andi %parallel_loop3A_194, %parallel_loop3A_196 : vector<16xi32>
          %parallel_loop3A_198 = arith.constant 14 : i32
          %parallel_loop3A_199 = vector.broadcast %parallel_loop3A_198 : i32 to vector<16xi32>
          %parallel_loop3A_200 = arith.shrui %parallel_loop3A_194, %parallel_loop3A_199 : vector<16xi32>
          %parallel_loop3A_201 = arith.index_cast %parallel_loop3A_192 : i32 to index
          %parallel_loop3A_202 = tpu.vector_load %arg8[%parallel_loop3A_201] {strides = array<i32>} : memref<16384xi32, #tpu.memory_space<vmem>>, vector<16xi32>,
          %parallel_loop3A_203 = arith.index_cast %parallel_loop3A_192 : i32 to index
          %parallel_loop3A_204 = tpu.vector_load %arg9[%parallel_loop3A_203] {strides = array<i32>} : memref<16384xi32, #tpu.memory_space<vmem>>, vector<16xi32>,
          %parallel_loop3A_205 = arith.constant 16 : i32
          %parallel_loop3A_206 = vector.broadcast %parallel_loop3A_205 : i32 to vector<16xi32>
          %parallel_loop3A_207 = arith.shli %parallel_loop3A_202, %parallel_loop3A_206 : vector<16xi32>
          %parallel_loop3A_208 = tpu.bitcast %parallel_loop3A_207 : vector<16xi32> -> vector<16xf32>
          %parallel_loop3A_209 = arith.constant -65536 : i32
          %parallel_loop3A_210 = vector.broadcast %parallel_loop3A_209 : i32 to vector<16xi32>
          %parallel_loop3A_211 = arith.andi %parallel_loop3A_202, %parallel_loop3A_210 : vector<16xi32>
          %parallel_loop3A_212 = tpu.bitcast %parallel_loop3A_211 : vector<16xi32> -> vector<16xf32>
          %parallel_loop3A_213 = arith.constant 16 : i32
          %parallel_loop3A_214 = vector.broadcast %parallel_loop3A_213 : i32 to vector<16xi32>
          %parallel_loop3A_215 = arith.shli %parallel_loop3A_204, %parallel_loop3A_214 : vector<16xi32>
          %parallel_loop3A_216 = tpu.bitcast %parallel_loop3A_215 : vector<16xi32> -> vector<16xf32>
          %parallel_loop3A_217 = arith.constant -65536 : i32
          %parallel_loop3A_218 = vector.broadcast %parallel_loop3A_217 : i32 to vector<16xi32>
          %parallel_loop3A_219 = arith.andi %parallel_loop3A_204, %parallel_loop3A_218 : vector<16xi32>
          %parallel_loop3A_220 = tpu.bitcast %parallel_loop3A_219 : vector<16xi32> -> vector<16xf32>
          %parallel_loop3A_221 = tpu.vector_load_idx %arg10[%parallel_loop3A_197] : memref<16384xf32, #tpu.memory_space<vmem>>[vector<16xi32>], vector<16xf32>,
          %parallel_loop3A_222 = tpu.vector_load_idx %arg10[%parallel_loop3A_200] : memref<16384xf32, #tpu.memory_space<vmem>>[vector<16xi32>], vector<16xf32>,
          %parallel_loop3A_223 = arith.mulf %parallel_loop3A_220, %parallel_loop3A_222 : vector<16xf32>
          %parallel_loop3A_224 = arith.addf %parallel_loop3A_212, %parallel_loop3A_223 : vector<16xf32>
          %parallel_loop3A_225 = arith.mulf %parallel_loop3A_221, %parallel_loop3A_224 : vector<16xf32>
          %parallel_loop3A_226 = arith.addf %parallel_loop3A_208, %parallel_loop3A_225 : vector<16xf32>
          %parallel_loop3A_227 = arith.mulf %parallel_loop3A_216, %parallel_loop3A_222 : vector<16xf32>
          %parallel_loop3A_228 = arith.addf %parallel_loop3A_226, %parallel_loop3A_227 : vector<16xf32>
          %parallel_loop3A_229 = arith.index_cast %parallel_loop3A_189 : i32 to index
          %parallel_loop3A_230 = tpu.vector_load %arg15[%parallel_loop3A_229] {strides = array<i32>} : memref<2048xf32, #tpu.memory_space<vmem>>, vector<16xf32>,
          tpu.vector_store %arg15[%parallel_loop3A_229], %parallel_loop3A_228 {strides = array<i32>} : memref<2048xf32, #tpu.memory_space<vmem>>, vector<16xf32>,
          %parallel_loop3A_231 = tpu.vector_load_idx %arg11[%parallel_loop3A_197] : memref<16384xf32, #tpu.memory_space<vmem>>[vector<16xi32>], vector<16xf32>,
          %parallel_loop3A_232 = tpu.vector_load_idx %arg11[%parallel_loop3A_200] : memref<16384xf32, #tpu.memory_space<vmem>>[vector<16xi32>], vector<16xf32>,
          %parallel_loop3A_233 = arith.mulf %parallel_loop3A_220, %parallel_loop3A_232 : vector<16xf32>
          %parallel_loop3A_234 = arith.addf %parallel_loop3A_212, %parallel_loop3A_233 : vector<16xf32>
          %parallel_loop3A_235 = arith.mulf %parallel_loop3A_231, %parallel_loop3A_234 : vector<16xf32>
          %parallel_loop3A_236 = arith.addf %parallel_loop3A_208, %parallel_loop3A_235 : vector<16xf32>
          %parallel_loop3A_237 = arith.mulf %parallel_loop3A_216, %parallel_loop3A_232 : vector<16xf32>
          %parallel_loop3A_238 = arith.addf %parallel_loop3A_236, %parallel_loop3A_237 : vector<16xf32>
          %parallel_loop3A_239 = arith.index_cast %parallel_loop3A_189 : i32 to index
          %parallel_loop3A_240 = tpu.vector_load %arg17[%parallel_loop3A_239] {strides = array<i32>} : memref<2048xf32, #tpu.memory_space<vmem>>, vector<16xf32>,
          tpu.vector_store %arg17[%parallel_loop3A_239], %parallel_loop3A_238 {strides = array<i32>} : memref<2048xf32, #tpu.memory_space<vmem>>, vector<16xf32>,
        } {sc.loop_unroll_factor = 4 : i64, sc.parallel_access}
        %mul3A_172 = arith.constant 2 : i32
        %mul3A_173 = arith.muli %mul3A_56, %mul3A_172 : i32
        %add3A_174 = arith.addi %mul3A_2, %mul3A_173 : i32
        %mul3A_175 = arith.constant 2048 : i32
        %mul3A_176 = arith.muli %add3A_160, %mul3A_175 : i32
        %add3A_177 = arith.constant 1 : i32
        %add3A_178 = arith.addi %add3A_174, %add3A_177 : i32
        %dma_start3A_179 = tpu.memref_slice %arg6[%add3A_174, %mul3A_176] : memref<1024x16384xf32, #tpu.memory_space<hbm>> -> memref<1x2048xf32, #tpu.memory_space<hbm>>
        %dma_start3A_180 = tpu.memref_squeeze %dma_start3A_179 : memref<1x2048xf32, #tpu.memory_space<hbm>> -> memref<2048xf32, #tpu.memory_space<hbm>>
        %dma_start3A_181 = tpu.memref_slice %arg6[%add3A_174, %mul3A_176] : memref<1024x16384xf32, #tpu.memory_space<hbm>> -> memref<1x2048xf32, #tpu.memory_space<hbm>>
        %dma_start3A_182 = tpu.memref_squeeze %dma_start3A_181 : memref<1x2048xf32, #tpu.memory_space<hbm>> -> memref<2048xf32, #tpu.memory_space<hbm>>
        tpu.enqueue_dma source(%arg15 : memref<2048xf32, #tpu.memory_space<vmem>>) target(%dma_start3A_182 : memref<2048xf32, #tpu.memory_space<hbm>>) target_semaphore(%arg21 : memref<!tpu.dma_semaphore, #tpu.memory_space<semaphore_mem>>)
        %dma_start3A_183 = tpu.memref_slice %arg6[%add3A_178, %mul3A_176] : memref<1024x16384xf32, #tpu.memory_space<hbm>> -> memref<1x2048xf32, #tpu.memory_space<hbm>>
        %dma_start3A_184 = tpu.memref_squeeze %dma_start3A_183 : memref<1x2048xf32, #tpu.memory_space<hbm>> -> memref<2048xf32, #tpu.memory_space<hbm>>
        %dma_start3A_185 = tpu.memref_slice %arg6[%add3A_178, %mul3A_176] : memref<1024x16384xf32, #tpu.memory_space<hbm>> -> memref<1x2048xf32, #tpu.memory_space<hbm>>
        %dma_start3A_186 = tpu.memref_squeeze %dma_start3A_185 : memref<1x2048xf32, #tpu.memory_space<hbm>> -> memref<2048xf32, #tpu.memory_space<hbm>>
        tpu.enqueue_dma source(%arg17 : memref<2048xf32, #tpu.memory_space<vmem>>) target(%dma_start3A_186 : memref<2048xf32, #tpu.memory_space<hbm>>) target_semaphore(%arg21 : memref<!tpu.dma_semaphore, #tpu.memory_space<semaphore_mem>>)
      }
      %scan3A_98 = arith.constant 4 : i32
      %mul3A_99 = arith.constant 2 : i32
      %mul3A_100 = arith.muli %scan3A_54, %mul3A_99 : i32
      %add3A_101 = arith.constant 1 : i32
      %add3A_102 = arith.addi %mul3A_100, %add3A_101 : i32
      %add3A_103 = arith.constant 1 : i32
      %add3A_104 = arith.addi %add3A_102, %add3A_103 : i32
      %lt3A = arith.constant 16 : i32
      %lt3A_105 = arith.cmpi slt, %add3A_104, %lt3A : i32
      %convert_element_type3A = arith.extui %lt3A_105 : i1 to i32
      %cond3A = arith.constant 0 : i32
      %cond3A_106 = arith.cmpi ne, %convert_element_type3A, %cond3A : i32
      scf.if %cond3A_106 {
        %add3A_130 = arith.constant 1 : i32
        %add3A_131 = arith.addi %add3A_102, %add3A_130 : i32
        %mul3A_132 = arith.constant 2 : i32
        %mul3A_133 = arith.muli %add3A_131, %mul3A_132 : i32
        %add3A_134 = arith.addi %mul3A_2, %mul3A_133 : i32
        %add3A_135 = arith.constant 1 : i32
        %add3A_136 = arith.addi %add3A_134, %add3A_135 : i32
        %dma_start3A_137 = arith.constant 0 : i32
        %dma_start3A_138 = tpu.memref_slice %arg2[%add3A_134, %dma_start3A_137] : memref<1024x16384xf32, #tpu.memory_space<hbm>> -> memref<1x16384xf32, #tpu.memory_space<hbm>>
        %dma_start3A_139 = tpu.memref_squeeze %dma_start3A_138 : memref<1x16384xf32, #tpu.memory_space<hbm>> -> memref<16384xf32, #tpu.memory_space<hbm>>
        %dma_start3A_140 = arith.constant 0 : i32
        %dma_start3A_141 = tpu.memref_slice %arg2[%add3A_134, %dma_start3A_140] : memref<1024x16384xf32, #tpu.memory_space<hbm>> -> memref<1x16384xf32, #tpu.memory_space<hbm>>
        %dma_start3A_142 = tpu.memref_squeeze %dma_start3A_141 : memref<1x16384xf32, #tpu.memory_space<hbm>> -> memref<16384xf32, #tpu.memory_space<hbm>>
        tpu.enqueue_dma source(%dma_start3A_142 : memref<16384xf32, #tpu.memory_space<hbm>>) target(%arg10 : memref<16384xf32, #tpu.memory_space<vmem>>) target_semaphore(%arg18 : memref<!tpu.dma_semaphore, #tpu.memory_space<semaphore_mem>>)
        %dma_start3A_143 = arith.constant 0 : i32
        %dma_start3A_144 = tpu.memref_slice %arg2[%add3A_136, %dma_start3A_143] : memref<1024x16384xf32, #tpu.memory_space<hbm>> -> memref<1x16384xf32, #tpu.memory_space<hbm>>
        %dma_start3A_145 = tpu.memref_squeeze %dma_start3A_144 : memref<1x16384xf32, #tpu.memory_space<hbm>> -> memref<16384xf32, #tpu.memory_space<hbm>>
        %dma_start3A_146 = arith.constant 0 : i32
        %dma_start3A_147 = tpu.memref_slice %arg2[%add3A_136, %dma_start3A_146] : memref<1024x16384xf32, #tpu.memory_space<hbm>> -> memref<1x16384xf32, #tpu.memory_space<hbm>>
        %dma_start3A_148 = tpu.memref_squeeze %dma_start3A_147 : memref<1x16384xf32, #tpu.memory_space<hbm>> -> memref<16384xf32, #tpu.memory_space<hbm>>
        tpu.enqueue_dma source(%dma_start3A_148 : memref<16384xf32, #tpu.memory_space<hbm>>) target(%arg11 : memref<16384xf32, #tpu.memory_space<vmem>>) target_semaphore(%arg18 : memref<!tpu.dma_semaphore, #tpu.memory_space<semaphore_mem>>)
      } else {
      }
      %mul3A_107 = arith.constant 2 : i32
      %mul3A_108 = arith.muli %add3A_102, %mul3A_107 : i32
      %add3A_109 = arith.addi %mul3A_2, %mul3A_108 : i32
      %add3A_110 = arith.constant 1 : i32
      %add3A_111 = arith.addi %add3A_109, %add3A_110 : i32
      %dma_wait3A_112 = arith.constant 0 : i32
      %dma_wait3A_113 = tpu.memref_slice %arg2[%add3A_109, %dma_wait3A_112] : memref<1024x16384xf32, #tpu.memory_space<hbm>> -> memref<1x16384xf32, #tpu.memory_space<hbm>>
      %dma_wait3A_114 = tpu.memref_squeeze %dma_wait3A_113 : memref<1x16384xf32, #tpu.memory_space<hbm>> -> memref<16384xf32, #tpu.memory_space<hbm>>
      %dma_wait3A_115 = arith.constant 0 : i32
      %dma_wait3A_116 = tpu.memref_slice %arg2[%add3A_109, %dma_wait3A_115] : memref<1024x16384xf32, #tpu.memory_space<hbm>> -> memref<1x16384xf32, #tpu.memory_space<hbm>>
      %dma_wait3A_117 = tpu.memref_squeeze %dma_wait3A_116 : memref<1x16384xf32, #tpu.memory_space<hbm>> -> memref<16384xf32, #tpu.memory_space<hbm>>
      tpu.wait_dma2 semaphore(%arg19 : memref<!tpu.dma_semaphore, #tpu.memory_space<semaphore_mem>>) src(%dma_wait3A_117 : memref<16384xf32, #tpu.memory_space<hbm>>) dst(%arg12 : memref<16384xf32, #tpu.memory_space<vmem>>)
      %dma_wait3A_118 = arith.constant 0 : i32
      %dma_wait3A_119 = tpu.memref_slice %arg2[%add3A_111, %dma_wait3A_118] : memref<1024x16384xf32, #tpu.memory_space<hbm>> -> memref<1x16384xf32, #tpu.memory_space<hbm>>
      %dma_wait3A_120 = tpu.memref_squeeze %dma_wait3A_119 : memref<1x16384xf32, #tpu.memory_space<hbm>> -> memref<16384xf32, #tpu.memory_space<hbm>>
      %dma_wait3A_121 = arith.constant 0 : i32
      %dma_wait3A_122 = tpu.memref_slice %arg2[%add3A_111, %dma_wait3A_121] : memref<1024x16384xf32, #tpu.memory_space<hbm>> -> memref<1x16384xf32, #tpu.memory_space<hbm>>
      %dma_wait3A_123 = tpu.memref_squeeze %dma_wait3A_122 : memref<1x16384xf32, #tpu.memory_space<hbm>> -> memref<16384xf32, #tpu.memory_space<hbm>>
      tpu.wait_dma2 semaphore(%arg19 : memref<!tpu.dma_semaphore, #tpu.memory_space<semaphore_mem>>) src(%dma_wait3A_123 : memref<16384xf32, #tpu.memory_space<hbm>>) dst(%arg13 : memref<16384xf32, #tpu.memory_space<vmem>>)
      %scan3A_124 = arith.constant 0 : i32
      %scan3A_125 = arith.constant 0 : i32
      %scan3A_126 = arith.constant 4 : i32
      %scan3A_127 = arith.addi %scan3A_125, %scan3A_126 : i32
      %scan3A_128 = arith.constant 1 : i32
      scf.for %scan3A_130 = %scan3A_125 to %scan3A_127 step %scan3A_128  : i32 {
        %mul3A_131 = arith.constant 2 : i32
        %mul3A_132 = arith.muli %scan3A_130, %mul3A_131 : i32
        %mul3A_133 = arith.constant 8 : i32
        %mul3A_134 = arith.muli %add3A_102, %mul3A_133 : i32
        %add3A_135 = arith.addi %mul3A_134, %mul3A_132 : i32
        %ge3A = arith.constant 2 : i32
        %ge3A_136 = arith.cmpi sge, %add3A_135, %ge3A : i32
        %convert_element_type3A_137 = arith.extui %ge3A_136 : i1 to i32
        %cond3A_138 = arith.constant 0 : i32
        %cond3A_139 = arith.cmpi ne, %convert_element_type3A_137, %cond3A_138 : i32
        scf.if %cond3A_139 {
          %mul3A_187 = arith.constant 2 : i32
          %mul3A_188 = arith.muli %add3A_102, %mul3A_187 : i32
          %add3A_189 = arith.addi %mul3A_2, %mul3A_188 : i32
          %mul3A_190 = arith.constant 2048 : i32
          %mul3A_191 = arith.muli %mul3A_132, %mul3A_190 : i32
          %add3A_192 = arith.constant 1 : i32
          %add3A_193 = arith.addi %add3A_189, %add3A_192 : i32
          %dma_wait3A_194 = tpu.memref_slice %arg6[%add3A_189, %mul3A_191] : memref<1024x16384xf32, #tpu.memory_space<hbm>> -> memref<1x2048xf32, #tpu.memory_space<hbm>>
          %dma_wait3A_195 = tpu.memref_squeeze %dma_wait3A_194 : memref<1x2048xf32, #tpu.memory_space<hbm>> -> memref<2048xf32, #tpu.memory_space<hbm>>
          %dma_wait3A_196 = tpu.memref_slice %arg6[%add3A_189, %mul3A_191] : memref<1024x16384xf32, #tpu.memory_space<hbm>> -> memref<1x2048xf32, #tpu.memory_space<hbm>>
          %dma_wait3A_197 = tpu.memref_squeeze %dma_wait3A_196 : memref<1x2048xf32, #tpu.memory_space<hbm>> -> memref<2048xf32, #tpu.memory_space<hbm>>
          tpu.wait_dma2 semaphore(%arg20 : memref<!tpu.dma_semaphore, #tpu.memory_space<semaphore_mem>>) src(%arg14 : memref<2048xf32, #tpu.memory_space<vmem>>) dst(%dma_wait3A_197 : memref<2048xf32, #tpu.memory_space<hbm>>)
          %dma_wait3A_198 = tpu.memref_slice %arg6[%add3A_193, %mul3A_191] : memref<1024x16384xf32, #tpu.memory_space<hbm>> -> memref<1x2048xf32, #tpu.memory_space<hbm>>
          %dma_wait3A_199 = tpu.memref_squeeze %dma_wait3A_198 : memref<1x2048xf32, #tpu.memory_space<hbm>> -> memref<2048xf32, #tpu.memory_space<hbm>>
          %dma_wait3A_200 = tpu.memref_slice %arg6[%add3A_193, %mul3A_191] : memref<1024x16384xf32, #tpu.memory_space<hbm>> -> memref<1x2048xf32, #tpu.memory_space<hbm>>
          %dma_wait3A_201 = tpu.memref_squeeze %dma_wait3A_200 : memref<1x2048xf32, #tpu.memory_space<hbm>> -> memref<2048xf32, #tpu.memory_space<hbm>>
          tpu.wait_dma2 semaphore(%arg20 : memref<!tpu.dma_semaphore, #tpu.memory_space<semaphore_mem>>) src(%arg16 : memref<2048xf32, #tpu.memory_space<vmem>>) dst(%dma_wait3A_201 : memref<2048xf32, #tpu.memory_space<hbm>>)
        } else {
        }
        %parallel_loop3A = arith.constant 0 : i32
        %parallel_loop3A_140 = arith.constant 128 : i32
        %parallel_loop3A_141 = arith.constant 1 : i32
        scf.for %parallel_loop3A_187 = %parallel_loop3A to %parallel_loop3A_140 step %parallel_loop3A_141  : i32 {
          %parallel_loop3A_188 = arith.constant 16 : i32
          %parallel_loop3A_189 = arith.muli %parallel_loop3A_187, %parallel_loop3A_188 : i32
          %parallel_loop3A_190 = arith.constant 2048 : i32
          %parallel_loop3A_191 = arith.muli %mul3A_132, %parallel_loop3A_190 : i32
          %parallel_loop3A_192 = arith.addi %parallel_loop3A_191, %parallel_loop3A_189 : i32
          %parallel_loop3A_193 = arith.index_cast %parallel_loop3A_192 : i32 to index
          %parallel_loop3A_194 = tpu.vector_load %arg7[%parallel_loop3A_193] {strides = array<i32>} : memref<16384xi32, #tpu.memory_space<vmem>>, vector<16xi32>,
          %parallel_loop3A_195 = arith.constant 16383 : i32
          %parallel_loop3A_196 = vector.broadcast %parallel_loop3A_195 : i32 to vector<16xi32>
          %parallel_loop3A_197 = arith.andi %parallel_loop3A_194, %parallel_loop3A_196 : vector<16xi32>
          %parallel_loop3A_198 = arith.constant 14 : i32
          %parallel_loop3A_199 = vector.broadcast %parallel_loop3A_198 : i32 to vector<16xi32>
          %parallel_loop3A_200 = arith.shrui %parallel_loop3A_194, %parallel_loop3A_199 : vector<16xi32>
          %parallel_loop3A_201 = arith.index_cast %parallel_loop3A_192 : i32 to index
          %parallel_loop3A_202 = tpu.vector_load %arg8[%parallel_loop3A_201] {strides = array<i32>} : memref<16384xi32, #tpu.memory_space<vmem>>, vector<16xi32>,
          %parallel_loop3A_203 = arith.index_cast %parallel_loop3A_192 : i32 to index
          %parallel_loop3A_204 = tpu.vector_load %arg9[%parallel_loop3A_203] {strides = array<i32>} : memref<16384xi32, #tpu.memory_space<vmem>>, vector<16xi32>,
          %parallel_loop3A_205 = arith.constant 16 : i32
          %parallel_loop3A_206 = vector.broadcast %parallel_loop3A_205 : i32 to vector<16xi32>
          %parallel_loop3A_207 = arith.shli %parallel_loop3A_202, %parallel_loop3A_206 : vector<16xi32>
          %parallel_loop3A_208 = tpu.bitcast %parallel_loop3A_207 : vector<16xi32> -> vector<16xf32>
          %parallel_loop3A_209 = arith.constant -65536 : i32
          %parallel_loop3A_210 = vector.broadcast %parallel_loop3A_209 : i32 to vector<16xi32>
          %parallel_loop3A_211 = arith.andi %parallel_loop3A_202, %parallel_loop3A_210 : vector<16xi32>
          %parallel_loop3A_212 = tpu.bitcast %parallel_loop3A_211 : vector<16xi32> -> vector<16xf32>
          %parallel_loop3A_213 = arith.constant 16 : i32
          %parallel_loop3A_214 = vector.broadcast %parallel_loop3A_213 : i32 to vector<16xi32>
          %parallel_loop3A_215 = arith.shli %parallel_loop3A_204, %parallel_loop3A_214 : vector<16xi32>
          %parallel_loop3A_216 = tpu.bitcast %parallel_loop3A_215 : vector<16xi32> -> vector<16xf32>
          %parallel_loop3A_217 = arith.constant -65536 : i32
          %parallel_loop3A_218 = vector.broadcast %parallel_loop3A_217 : i32 to vector<16xi32>
          %parallel_loop3A_219 = arith.andi %parallel_loop3A_204, %parallel_loop3A_218 : vector<16xi32>
          %parallel_loop3A_220 = tpu.bitcast %parallel_loop3A_219 : vector<16xi32> -> vector<16xf32>
          %parallel_loop3A_221 = tpu.vector_load_idx %arg12[%parallel_loop3A_197] : memref<16384xf32, #tpu.memory_space<vmem>>[vector<16xi32>], vector<16xf32>,
          %parallel_loop3A_222 = tpu.vector_load_idx %arg12[%parallel_loop3A_200] : memref<16384xf32, #tpu.memory_space<vmem>>[vector<16xi32>], vector<16xf32>,
          %parallel_loop3A_223 = arith.mulf %parallel_loop3A_220, %parallel_loop3A_222 : vector<16xf32>
          %parallel_loop3A_224 = arith.addf %parallel_loop3A_212, %parallel_loop3A_223 : vector<16xf32>
          %parallel_loop3A_225 = arith.mulf %parallel_loop3A_221, %parallel_loop3A_224 : vector<16xf32>
          %parallel_loop3A_226 = arith.addf %parallel_loop3A_208, %parallel_loop3A_225 : vector<16xf32>
          %parallel_loop3A_227 = arith.mulf %parallel_loop3A_216, %parallel_loop3A_222 : vector<16xf32>
          %parallel_loop3A_228 = arith.addf %parallel_loop3A_226, %parallel_loop3A_227 : vector<16xf32>
          %parallel_loop3A_229 = arith.index_cast %parallel_loop3A_189 : i32 to index
          %parallel_loop3A_230 = tpu.vector_load %arg14[%parallel_loop3A_229] {strides = array<i32>} : memref<2048xf32, #tpu.memory_space<vmem>>, vector<16xf32>,
          tpu.vector_store %arg14[%parallel_loop3A_229], %parallel_loop3A_228 {strides = array<i32>} : memref<2048xf32, #tpu.memory_space<vmem>>, vector<16xf32>,
          %parallel_loop3A_231 = tpu.vector_load_idx %arg13[%parallel_loop3A_197] : memref<16384xf32, #tpu.memory_space<vmem>>[vector<16xi32>], vector<16xf32>,
          %parallel_loop3A_232 = tpu.vector_load_idx %arg13[%parallel_loop3A_200] : memref<16384xf32, #tpu.memory_space<vmem>>[vector<16xi32>], vector<16xf32>,
          %parallel_loop3A_233 = arith.mulf %parallel_loop3A_220, %parallel_loop3A_232 : vector<16xf32>
          %parallel_loop3A_234 = arith.addf %parallel_loop3A_212, %parallel_loop3A_233 : vector<16xf32>
          %parallel_loop3A_235 = arith.mulf %parallel_loop3A_231, %parallel_loop3A_234 : vector<16xf32>
          %parallel_loop3A_236 = arith.addf %parallel_loop3A_208, %parallel_loop3A_235 : vector<16xf32>
          %parallel_loop3A_237 = arith.mulf %parallel_loop3A_216, %parallel_loop3A_232 : vector<16xf32>
          %parallel_loop3A_238 = arith.addf %parallel_loop3A_236, %parallel_loop3A_237 : vector<16xf32>
          %parallel_loop3A_239 = arith.index_cast %parallel_loop3A_189 : i32 to index
          %parallel_loop3A_240 = tpu.vector_load %arg16[%parallel_loop3A_239] {strides = array<i32>} : memref<2048xf32, #tpu.memory_space<vmem>>, vector<16xf32>,
          tpu.vector_store %arg16[%parallel_loop3A_239], %parallel_loop3A_238 {strides = array<i32>} : memref<2048xf32, #tpu.memory_space<vmem>>, vector<16xf32>,
        } {sc.loop_unroll_factor = 4 : i64, sc.parallel_access}
        %mul3A_142 = arith.constant 2 : i32
        %mul3A_143 = arith.muli %add3A_102, %mul3A_142 : i32
        %add3A_144 = arith.addi %mul3A_2, %mul3A_143 : i32
        %mul3A_145 = arith.constant 2048 : i32
        %mul3A_146 = arith.muli %mul3A_132, %mul3A_145 : i32
        %add3A_147 = arith.constant 1 : i32
        %add3A_148 = arith.addi %add3A_144, %add3A_147 : i32
        %dma_start3A_149 = tpu.memref_slice %arg6[%add3A_144, %mul3A_146] : memref<1024x16384xf32, #tpu.memory_space<hbm>> -> memref<1x2048xf32, #tpu.memory_space<hbm>>
        %dma_start3A_150 = tpu.memref_squeeze %dma_start3A_149 : memref<1x2048xf32, #tpu.memory_space<hbm>> -> memref<2048xf32, #tpu.memory_space<hbm>>
        %dma_start3A_151 = tpu.memref_slice %arg6[%add3A_144, %mul3A_146] : memref<1024x16384xf32, #tpu.memory_space<hbm>> -> memref<1x2048xf32, #tpu.memory_space<hbm>>
        %dma_start3A_152 = tpu.memref_squeeze %dma_start3A_151 : memref<1x2048xf32, #tpu.memory_space<hbm>> -> memref<2048xf32, #tpu.memory_space<hbm>>
        tpu.enqueue_dma source(%arg14 : memref<2048xf32, #tpu.memory_space<vmem>>) target(%dma_start3A_152 : memref<2048xf32, #tpu.memory_space<hbm>>) target_semaphore(%arg20 : memref<!tpu.dma_semaphore, #tpu.memory_space<semaphore_mem>>)
        %dma_start3A_153 = tpu.memref_slice %arg6[%add3A_148, %mul3A_146] : memref<1024x16384xf32, #tpu.memory_space<hbm>> -> memref<1x2048xf32, #tpu.memory_space<hbm>>
        %dma_start3A_154 = tpu.memref_squeeze %dma_start3A_153 : memref<1x2048xf32, #tpu.memory_space<hbm>> -> memref<2048xf32, #tpu.memory_space<hbm>>
        %dma_start3A_155 = tpu.memref_slice %arg6[%add3A_148, %mul3A_146] : memref<1024x16384xf32, #tpu.memory_space<hbm>> -> memref<1x2048xf32, #tpu.memory_space<hbm>>
        %dma_start3A_156 = tpu.memref_squeeze %dma_start3A_155 : memref<1x2048xf32, #tpu.memory_space<hbm>> -> memref<2048xf32, #tpu.memory_space<hbm>>
        tpu.enqueue_dma source(%arg16 : memref<2048xf32, #tpu.memory_space<vmem>>) target(%dma_start3A_156 : memref<2048xf32, #tpu.memory_space<hbm>>) target_semaphore(%arg20 : memref<!tpu.dma_semaphore, #tpu.memory_space<semaphore_mem>>)
        %mul3A_157 = arith.constant 2 : i32
        %mul3A_158 = arith.muli %scan3A_130, %mul3A_157 : i32
        %add3A_159 = arith.constant 1 : i32
        %add3A_160 = arith.addi %mul3A_158, %add3A_159 : i32
        %mul3A_161 = arith.constant 8 : i32
        %mul3A_162 = arith.muli %add3A_102, %mul3A_161 : i32
        %add3A_163 = arith.addi %mul3A_162, %add3A_160 : i32
        %ge3A_164 = arith.constant 2 : i32
        %ge3A_165 = arith.cmpi sge, %add3A_163, %ge3A_164 : i32
        %convert_element_type3A_166 = arith.extui %ge3A_165 : i1 to i32
        %cond3A_167 = arith.constant 0 : i32
        %cond3A_168 = arith.cmpi ne, %convert_element_type3A_166, %cond3A_167 : i32
        scf.if %cond3A_168 {
          %mul3A_187 = arith.constant 2 : i32
          %mul3A_188 = arith.muli %add3A_102, %mul3A_187 : i32
          %add3A_189 = arith.addi %mul3A_2, %mul3A_188 : i32
          %mul3A_190 = arith.constant 2048 : i32
          %mul3A_191 = arith.muli %add3A_160, %mul3A_190 : i32
          %add3A_192 = arith.constant 1 : i32
          %add3A_193 = arith.addi %add3A_189, %add3A_192 : i32
          %dma_wait3A_194 = tpu.memref_slice %arg6[%add3A_189, %mul3A_191] : memref<1024x16384xf32, #tpu.memory_space<hbm>> -> memref<1x2048xf32, #tpu.memory_space<hbm>>
          %dma_wait3A_195 = tpu.memref_squeeze %dma_wait3A_194 : memref<1x2048xf32, #tpu.memory_space<hbm>> -> memref<2048xf32, #tpu.memory_space<hbm>>
          %dma_wait3A_196 = tpu.memref_slice %arg6[%add3A_189, %mul3A_191] : memref<1024x16384xf32, #tpu.memory_space<hbm>> -> memref<1x2048xf32, #tpu.memory_space<hbm>>
          %dma_wait3A_197 = tpu.memref_squeeze %dma_wait3A_196 : memref<1x2048xf32, #tpu.memory_space<hbm>> -> memref<2048xf32, #tpu.memory_space<hbm>>
          tpu.wait_dma2 semaphore(%arg21 : memref<!tpu.dma_semaphore, #tpu.memory_space<semaphore_mem>>) src(%arg15 : memref<2048xf32, #tpu.memory_space<vmem>>) dst(%dma_wait3A_197 : memref<2048xf32, #tpu.memory_space<hbm>>)
          %dma_wait3A_198 = tpu.memref_slice %arg6[%add3A_193, %mul3A_191] : memref<1024x16384xf32, #tpu.memory_space<hbm>> -> memref<1x2048xf32, #tpu.memory_space<hbm>>
          %dma_wait3A_199 = tpu.memref_squeeze %dma_wait3A_198 : memref<1x2048xf32, #tpu.memory_space<hbm>> -> memref<2048xf32, #tpu.memory_space<hbm>>
          %dma_wait3A_200 = tpu.memref_slice %arg6[%add3A_193, %mul3A_191] : memref<1024x16384xf32, #tpu.memory_space<hbm>> -> memref<1x2048xf32, #tpu.memory_space<hbm>>
          %dma_wait3A_201 = tpu.memref_squeeze %dma_wait3A_200 : memref<1x2048xf32, #tpu.memory_space<hbm>> -> memref<2048xf32, #tpu.memory_space<hbm>>
          tpu.wait_dma2 semaphore(%arg21 : memref<!tpu.dma_semaphore, #tpu.memory_space<semaphore_mem>>) src(%arg17 : memref<2048xf32, #tpu.memory_space<vmem>>) dst(%dma_wait3A_201 : memref<2048xf32, #tpu.memory_space<hbm>>)
        } else {
        }
        %parallel_loop3A_169 = arith.constant 0 : i32
        %parallel_loop3A_170 = arith.constant 128 : i32
        %parallel_loop3A_171 = arith.constant 1 : i32
        scf.for %parallel_loop3A_187 = %parallel_loop3A_169 to %parallel_loop3A_170 step %parallel_loop3A_171  : i32 {
          %parallel_loop3A_188 = arith.constant 16 : i32
          %parallel_loop3A_189 = arith.muli %parallel_loop3A_187, %parallel_loop3A_188 : i32
          %parallel_loop3A_190 = arith.constant 2048 : i32
          %parallel_loop3A_191 = arith.muli %add3A_160, %parallel_loop3A_190 : i32
          %parallel_loop3A_192 = arith.addi %parallel_loop3A_191, %parallel_loop3A_189 : i32
          %parallel_loop3A_193 = arith.index_cast %parallel_loop3A_192 : i32 to index
          %parallel_loop3A_194 = tpu.vector_load %arg7[%parallel_loop3A_193] {strides = array<i32>} : memref<16384xi32, #tpu.memory_space<vmem>>, vector<16xi32>,
          %parallel_loop3A_195 = arith.constant 16383 : i32
          %parallel_loop3A_196 = vector.broadcast %parallel_loop3A_195 : i32 to vector<16xi32>
          %parallel_loop3A_197 = arith.andi %parallel_loop3A_194, %parallel_loop3A_196 : vector<16xi32>
          %parallel_loop3A_198 = arith.constant 14 : i32
          %parallel_loop3A_199 = vector.broadcast %parallel_loop3A_198 : i32 to vector<16xi32>
          %parallel_loop3A_200 = arith.shrui %parallel_loop3A_194, %parallel_loop3A_199 : vector<16xi32>
          %parallel_loop3A_201 = arith.index_cast %parallel_loop3A_192 : i32 to index
          %parallel_loop3A_202 = tpu.vector_load %arg8[%parallel_loop3A_201] {strides = array<i32>} : memref<16384xi32, #tpu.memory_space<vmem>>, vector<16xi32>,
          %parallel_loop3A_203 = arith.index_cast %parallel_loop3A_192 : i32 to index
          %parallel_loop3A_204 = tpu.vector_load %arg9[%parallel_loop3A_203] {strides = array<i32>} : memref<16384xi32, #tpu.memory_space<vmem>>, vector<16xi32>,
          %parallel_loop3A_205 = arith.constant 16 : i32
          %parallel_loop3A_206 = vector.broadcast %parallel_loop3A_205 : i32 to vector<16xi32>
          %parallel_loop3A_207 = arith.shli %parallel_loop3A_202, %parallel_loop3A_206 : vector<16xi32>
          %parallel_loop3A_208 = tpu.bitcast %parallel_loop3A_207 : vector<16xi32> -> vector<16xf32>
          %parallel_loop3A_209 = arith.constant -65536 : i32
          %parallel_loop3A_210 = vector.broadcast %parallel_loop3A_209 : i32 to vector<16xi32>
          %parallel_loop3A_211 = arith.andi %parallel_loop3A_202, %parallel_loop3A_210 : vector<16xi32>
          %parallel_loop3A_212 = tpu.bitcast %parallel_loop3A_211 : vector<16xi32> -> vector<16xf32>
          %parallel_loop3A_213 = arith.constant 16 : i32
          %parallel_loop3A_214 = vector.broadcast %parallel_loop3A_213 : i32 to vector<16xi32>
          %parallel_loop3A_215 = arith.shli %parallel_loop3A_204, %parallel_loop3A_214 : vector<16xi32>
          %parallel_loop3A_216 = tpu.bitcast %parallel_loop3A_215 : vector<16xi32> -> vector<16xf32>
          %parallel_loop3A_217 = arith.constant -65536 : i32
          %parallel_loop3A_218 = vector.broadcast %parallel_loop3A_217 : i32 to vector<16xi32>
          %parallel_loop3A_219 = arith.andi %parallel_loop3A_204, %parallel_loop3A_218 : vector<16xi32>
          %parallel_loop3A_220 = tpu.bitcast %parallel_loop3A_219 : vector<16xi32> -> vector<16xf32>
          %parallel_loop3A_221 = tpu.vector_load_idx %arg12[%parallel_loop3A_197] : memref<16384xf32, #tpu.memory_space<vmem>>[vector<16xi32>], vector<16xf32>,
          %parallel_loop3A_222 = tpu.vector_load_idx %arg12[%parallel_loop3A_200] : memref<16384xf32, #tpu.memory_space<vmem>>[vector<16xi32>], vector<16xf32>,
          %parallel_loop3A_223 = arith.mulf %parallel_loop3A_220, %parallel_loop3A_222 : vector<16xf32>
          %parallel_loop3A_224 = arith.addf %parallel_loop3A_212, %parallel_loop3A_223 : vector<16xf32>
          %parallel_loop3A_225 = arith.mulf %parallel_loop3A_221, %parallel_loop3A_224 : vector<16xf32>
          %parallel_loop3A_226 = arith.addf %parallel_loop3A_208, %parallel_loop3A_225 : vector<16xf32>
          %parallel_loop3A_227 = arith.mulf %parallel_loop3A_216, %parallel_loop3A_222 : vector<16xf32>
          %parallel_loop3A_228 = arith.addf %parallel_loop3A_226, %parallel_loop3A_227 : vector<16xf32>
          %parallel_loop3A_229 = arith.index_cast %parallel_loop3A_189 : i32 to index
          %parallel_loop3A_230 = tpu.vector_load %arg15[%parallel_loop3A_229] {strides = array<i32>} : memref<2048xf32, #tpu.memory_space<vmem>>, vector<16xf32>,
          tpu.vector_store %arg15[%parallel_loop3A_229], %parallel_loop3A_228 {strides = array<i32>} : memref<2048xf32, #tpu.memory_space<vmem>>, vector<16xf32>,
          %parallel_loop3A_231 = tpu.vector_load_idx %arg13[%parallel_loop3A_197] : memref<16384xf32, #tpu.memory_space<vmem>>[vector<16xi32>], vector<16xf32>,
          %parallel_loop3A_232 = tpu.vector_load_idx %arg13[%parallel_loop3A_200] : memref<16384xf32, #tpu.memory_space<vmem>>[vector<16xi32>], vector<16xf32>,
          %parallel_loop3A_233 = arith.mulf %parallel_loop3A_220, %parallel_loop3A_232 : vector<16xf32>
          %parallel_loop3A_234 = arith.addf %parallel_loop3A_212, %parallel_loop3A_233 : vector<16xf32>
          %parallel_loop3A_235 = arith.mulf %parallel_loop3A_231, %parallel_loop3A_234 : vector<16xf32>
          %parallel_loop3A_236 = arith.addf %parallel_loop3A_208, %parallel_loop3A_235 : vector<16xf32>
          %parallel_loop3A_237 = arith.mulf %parallel_loop3A_216, %parallel_loop3A_232 : vector<16xf32>
          %parallel_loop3A_238 = arith.addf %parallel_loop3A_236, %parallel_loop3A_237 : vector<16xf32>
          %parallel_loop3A_239 = arith.index_cast %parallel_loop3A_189 : i32 to index
          %parallel_loop3A_240 = tpu.vector_load %arg17[%parallel_loop3A_239] {strides = array<i32>} : memref<2048xf32, #tpu.memory_space<vmem>>, vector<16xf32>,
          tpu.vector_store %arg17[%parallel_loop3A_239], %parallel_loop3A_238 {strides = array<i32>} : memref<2048xf32, #tpu.memory_space<vmem>>, vector<16xf32>,
        } {sc.loop_unroll_factor = 4 : i64, sc.parallel_access}
        %mul3A_172 = arith.constant 2 : i32
        %mul3A_173 = arith.muli %add3A_102, %mul3A_172 : i32
        %add3A_174 = arith.addi %mul3A_2, %mul3A_173 : i32
        %mul3A_175 = arith.constant 2048 : i32
        %mul3A_176 = arith.muli %add3A_160, %mul3A_175 : i32
        %add3A_177 = arith.constant 1 : i32
        %add3A_178 = arith.addi %add3A_174, %add3A_177 : i32
        %dma_start3A_179 = tpu.memref_slice %arg6[%add3A_174, %mul3A_176] : memref<1024x16384xf32, #tpu.memory_space<hbm>> -> memref<1x2048xf32, #tpu.memory_space<hbm>>
        %dma_start3A_180 = tpu.memref_squeeze %dma_start3A_179 : memref<1x2048xf32, #tpu.memory_space<hbm>> -> memref<2048xf32, #tpu.memory_space<hbm>>
        %dma_start3A_181 = tpu.memref_slice %arg6[%add3A_174, %mul3A_176] : memref<1024x16384xf32, #tpu.memory_space<hbm>> -> memref<1x2048xf32, #tpu.memory_space<hbm>>
        %dma_start3A_182 = tpu.memref_squeeze %dma_start3A_181 : memref<1x2048xf32, #tpu.memory_space<hbm>> -> memref<2048xf32, #tpu.memory_space<hbm>>
        tpu.enqueue_dma source(%arg15 : memref<2048xf32, #tpu.memory_space<vmem>>) target(%dma_start3A_182 : memref<2048xf32, #tpu.memory_space<hbm>>) target_semaphore(%arg21 : memref<!tpu.dma_semaphore, #tpu.memory_space<semaphore_mem>>)
        %dma_start3A_183 = tpu.memref_slice %arg6[%add3A_178, %mul3A_176] : memref<1024x16384xf32, #tpu.memory_space<hbm>> -> memref<1x2048xf32, #tpu.memory_space<hbm>>
        %dma_start3A_184 = tpu.memref_squeeze %dma_start3A_183 : memref<1x2048xf32, #tpu.memory_space<hbm>> -> memref<2048xf32, #tpu.memory_space<hbm>>
        %dma_start3A_185 = tpu.memref_slice %arg6[%add3A_178, %mul3A_176] : memref<1024x16384xf32, #tpu.memory_space<hbm>> -> memref<1x2048xf32, #tpu.memory_space<hbm>>
        %dma_start3A_186 = tpu.memref_squeeze %dma_start3A_185 : memref<1x2048xf32, #tpu.memory_space<hbm>> -> memref<2048xf32, #tpu.memory_space<hbm>>
        tpu.enqueue_dma source(%arg17 : memref<2048xf32, #tpu.memory_space<vmem>>) target(%dma_start3A_186 : memref<2048xf32, #tpu.memory_space<hbm>>) target_semaphore(%arg21 : memref<!tpu.dma_semaphore, #tpu.memory_space<semaphore_mem>>)
      }
      %scan3A_129 = arith.constant 4 : i32
    }
    %scan3A_22 = arith.constant 8 : i32
    %add3A_23 = arith.constant 30 : i32
    %add3A_24 = arith.addi %mul3A_2, %add3A_23 : i32
    %add3A_25 = arith.constant 1 : i32
    %add3A_26 = arith.addi %add3A_24, %add3A_25 : i32
    %dma_wait3A = arith.constant 12288 : i32
    %dma_wait3A_27 = tpu.memref_slice %arg6[%add3A_24, %dma_wait3A] : memref<1024x16384xf32, #tpu.memory_space<hbm>> -> memref<1x2048xf32, #tpu.memory_space<hbm>>
    %dma_wait3A_28 = tpu.memref_squeeze %dma_wait3A_27 : memref<1x2048xf32, #tpu.memory_space<hbm>> -> memref<2048xf32, #tpu.memory_space<hbm>>
    %dma_wait3A_29 = arith.constant 12288 : i32
    %dma_wait3A_30 = tpu.memref_slice %arg6[%add3A_24, %dma_wait3A_29] : memref<1024x16384xf32, #tpu.memory_space<hbm>> -> memref<1x2048xf32, #tpu.memory_space<hbm>>
    %dma_wait3A_31 = tpu.memref_squeeze %dma_wait3A_30 : memref<1x2048xf32, #tpu.memory_space<hbm>> -> memref<2048xf32, #tpu.memory_space<hbm>>
    tpu.wait_dma2 semaphore(%arg20 : memref<!tpu.dma_semaphore, #tpu.memory_space<semaphore_mem>>) src(%arg14 : memref<2048xf32, #tpu.memory_space<vmem>>) dst(%dma_wait3A_31 : memref<2048xf32, #tpu.memory_space<hbm>>)
    %dma_wait3A_32 = arith.constant 12288 : i32
    %dma_wait3A_33 = tpu.memref_slice %arg6[%add3A_26, %dma_wait3A_32] : memref<1024x16384xf32, #tpu.memory_space<hbm>> -> memref<1x2048xf32, #tpu.memory_space<hbm>>
    %dma_wait3A_34 = tpu.memref_squeeze %dma_wait3A_33 : memref<1x2048xf32, #tpu.memory_space<hbm>> -> memref<2048xf32, #tpu.memory_space<hbm>>
    %dma_wait3A_35 = arith.constant 12288 : i32
    %dma_wait3A_36 = tpu.memref_slice %arg6[%add3A_26, %dma_wait3A_35] : memref<1024x16384xf32, #tpu.memory_space<hbm>> -> memref<1x2048xf32, #tpu.memory_space<hbm>>
    %dma_wait3A_37 = tpu.memref_squeeze %dma_wait3A_36 : memref<1x2048xf32, #tpu.memory_space<hbm>> -> memref<2048xf32, #tpu.memory_space<hbm>>
    tpu.wait_dma2 semaphore(%arg20 : memref<!tpu.dma_semaphore, #tpu.memory_space<semaphore_mem>>) src(%arg16 : memref<2048xf32, #tpu.memory_space<vmem>>) dst(%dma_wait3A_37 : memref<2048xf32, #tpu.memory_space<hbm>>)
    %add3A_38 = arith.constant 30 : i32
    %add3A_39 = arith.addi %mul3A_2, %add3A_38 : i32
    %add3A_40 = arith.constant 1 : i32
    %add3A_41 = arith.addi %add3A_39, %add3A_40 : i32
    %dma_wait3A_42 = arith.constant 14336 : i32
    %dma_wait3A_43 = tpu.memref_slice %arg6[%add3A_39, %dma_wait3A_42] : memref<1024x16384xf32, #tpu.memory_space<hbm>> -> memref<1x2048xf32, #tpu.memory_space<hbm>>
    %dma_wait3A_44 = tpu.memref_squeeze %dma_wait3A_43 : memref<1x2048xf32, #tpu.memory_space<hbm>> -> memref<2048xf32, #tpu.memory_space<hbm>>
    %dma_wait3A_45 = arith.constant 14336 : i32
    %dma_wait3A_46 = tpu.memref_slice %arg6[%add3A_39, %dma_wait3A_45] : memref<1024x16384xf32, #tpu.memory_space<hbm>> -> memref<1x2048xf32, #tpu.memory_space<hbm>>
    %dma_wait3A_47 = tpu.memref_squeeze %dma_wait3A_46 : memref<1x2048xf32, #tpu.memory_space<hbm>> -> memref<2048xf32, #tpu.memory_space<hbm>>
    tpu.wait_dma2 semaphore(%arg21 : memref<!tpu.dma_semaphore, #tpu.memory_space<semaphore_mem>>) src(%arg15 : memref<2048xf32, #tpu.memory_space<vmem>>) dst(%dma_wait3A_47 : memref<2048xf32, #tpu.memory_space<hbm>>)
    %dma_wait3A_48 = arith.constant 14336 : i32
    %dma_wait3A_49 = tpu.memref_slice %arg6[%add3A_41, %dma_wait3A_48] : memref<1024x16384xf32, #tpu.memory_space<hbm>> -> memref<1x2048xf32, #tpu.memory_space<hbm>>
    %dma_wait3A_50 = tpu.memref_squeeze %dma_wait3A_49 : memref<1x2048xf32, #tpu.memory_space<hbm>> -> memref<2048xf32, #tpu.memory_space<hbm>>
    %dma_wait3A_51 = arith.constant 14336 : i32
    %dma_wait3A_52 = tpu.memref_slice %arg6[%add3A_41, %dma_wait3A_51] : memref<1024x16384xf32, #tpu.memory_space<hbm>> -> memref<1x2048xf32, #tpu.memory_space<hbm>>
    %dma_wait3A_53 = tpu.memref_squeeze %dma_wait3A_52 : memref<1x2048xf32, #tpu.memory_space<hbm>> -> memref<2048xf32, #tpu.memory_space<hbm>>
    tpu.wait_dma2 semaphore(%arg21 : memref<!tpu.dma_semaphore, #tpu.memory_space<semaphore_mem>>) src(%arg17 : memref<2048xf32, #tpu.memory_space<vmem>>) dst(%dma_wait3A_53 : memref<2048xf32, #tpu.memory_space<hbm>>)
    return
  }
}

module attributes {stable_mosaic.version = 14 : i64} {
  func.func @_coef_body(%arg0: memref<16x16384xf32, #tpu.memory_space<vmem>>, %arg1: memref<1x16384xi32, #tpu.memory_space<vmem>>, %arg2: memref<1x16384xi32, #tpu.memory_space<vmem>>, %arg3: memref<1x16384xi32, #tpu.memory_space<vmem>>, %arg4: memref<1x16384xi32, #tpu.memory_space<vmem>>, %arg5: memref<1x16384xi32, #tpu.memory_space<vmem>>) attributes {dimension_semantics = [], scalar_prefetch = 0 : i64, scratch_operands = 0 : i64, tpu.core_type = #tpu.core_type<tc>} {
    %get3A = arith.constant 0 : index
    %get3A_0 = arith.constant 0 : index
    %get3A_1 = vector.load %arg0[%get3A, %get3A_0] : memref<16x16384xf32, #tpu.memory_space<vmem>>, vector<16x16384xf32>
    %reduce_max3A = arith.constant dense<0xFF800000> : vector<16384xf32>
    %reduce_max3A_2 = vector.multi_reduction <maximumf>, %get3A_1, %reduce_max3A [0] : vector<16x16384xf32> to vector<16384xf32>
    %broadcast_in_dim3A = vector.shape_cast %reduce_max3A_2 : vector<16384xf32> to vector<1x16384xf32>
    %sub3A = vector.broadcast %broadcast_in_dim3A : vector<1x16384xf32> to vector<16x16384xf32>
    %sub3A_3 = arith.subf %get3A_1, %sub3A : vector<16x16384xf32>
    %exp3A = math.exp %sub3A_3 : vector<16x16384xf32>
    %reduce_sum3A = arith.constant dense<0.000000e+00> : vector<16384xf32>
    %reduce_sum3A_4 = vector.multi_reduction <add>, %exp3A, %reduce_sum3A [0] : vector<16x16384xf32> to vector<16384xf32>
    %broadcast_in_dim3A_5 = vector.shape_cast %reduce_sum3A_4 : vector<16384xf32> to vector<1x16384xf32>
    %div3A = vector.broadcast %broadcast_in_dim3A_5 : vector<1x16384xf32> to vector<16x16384xf32>
    %div3A_6 = arith.divf %exp3A, %div3A : vector<16x16384xf32>
    %slice3A = vector.extract_strided_slice %div3A_6 {offsets = [1, 0], sizes = [1, 16384], strides = [1, 1]} : vector<16x16384xf32> to vector<1x16384xf32>
    %slice3A_7 = vector.extract_strided_slice %div3A_6 {offsets = [2, 0], sizes = [1, 16384], strides = [1, 1]} : vector<16x16384xf32> to vector<1x16384xf32>
    %slice3A_8 = vector.extract_strided_slice %div3A_6 {offsets = [3, 0], sizes = [1, 16384], strides = [1, 1]} : vector<16x16384xf32> to vector<1x16384xf32>
    %slice3A_9 = vector.extract_strided_slice %div3A_6 {offsets = [4, 0], sizes = [1, 16384], strides = [1, 1]} : vector<16x16384xf32> to vector<1x16384xf32>
    %slice3A_10 = vector.extract_strided_slice %div3A_6 {offsets = [5, 0], sizes = [1, 16384], strides = [1, 1]} : vector<16x16384xf32> to vector<1x16384xf32>
    %slice3A_11 = vector.extract_strided_slice %div3A_6 {offsets = [6, 0], sizes = [1, 16384], strides = [1, 1]} : vector<16x16384xf32> to vector<1x16384xf32>
    %slice3A_12 = vector.extract_strided_slice %div3A_6 {offsets = [7, 0], sizes = [1, 16384], strides = [1, 1]} : vector<16x16384xf32> to vector<1x16384xf32>
    %slice3A_13 = vector.extract_strided_slice %div3A_6 {offsets = [8, 0], sizes = [1, 16384], strides = [1, 1]} : vector<16x16384xf32> to vector<1x16384xf32>
    %slice3A_14 = vector.extract_strided_slice %div3A_6 {offsets = [9, 0], sizes = [1, 16384], strides = [1, 1]} : vector<16x16384xf32> to vector<1x16384xf32>
    %slice3A_15 = vector.extract_strided_slice %div3A_6 {offsets = [10, 0], sizes = [1, 16384], strides = [1, 1]} : vector<16x16384xf32> to vector<1x16384xf32>
    %slice3A_16 = vector.extract_strided_slice %div3A_6 {offsets = [11, 0], sizes = [1, 16384], strides = [1, 1]} : vector<16x16384xf32> to vector<1x16384xf32>
    %slice3A_17 = vector.extract_strided_slice %div3A_6 {offsets = [12, 0], sizes = [1, 16384], strides = [1, 1]} : vector<16x16384xf32> to vector<1x16384xf32>
    %slice3A_18 = vector.extract_strided_slice %div3A_6 {offsets = [13, 0], sizes = [1, 16384], strides = [1, 1]} : vector<16x16384xf32> to vector<1x16384xf32>
    %slice3A_19 = vector.extract_strided_slice %div3A_6 {offsets = [14, 0], sizes = [1, 16384], strides = [1, 1]} : vector<16x16384xf32> to vector<1x16384xf32>
    %slice3A_20 = vector.extract_strided_slice %div3A_6 {offsets = [15, 0], sizes = [1, 16384], strides = [1, 1]} : vector<16x16384xf32> to vector<1x16384xf32>
    %add3A = arith.addf %slice3A_13, %slice3A_14 : vector<1x16384xf32>
    %add3A_21 = arith.addf %add3A, %slice3A_15 : vector<1x16384xf32>
    %add3A_22 = arith.addf %add3A_21, %slice3A_16 : vector<1x16384xf32>
    %add3A_23 = arith.addf %add3A_22, %slice3A_17 : vector<1x16384xf32>
    %add3A_24 = arith.addf %add3A_23, %slice3A_18 : vector<1x16384xf32>
    %add3A_25 = arith.addf %add3A_24, %slice3A_19 : vector<1x16384xf32>
    %add3A_26 = arith.addf %add3A_25, %slice3A_20 : vector<1x16384xf32>
    %add3A_27 = arith.addf %slice3A_7, %slice3A_8 : vector<1x16384xf32>
    %add3A_28 = arith.addf %add3A_27, %slice3A_11 : vector<1x16384xf32>
    %add3A_29 = arith.addf %add3A_28, %slice3A_12 : vector<1x16384xf32>
    %add3A_30 = arith.addf %slice3A_13, %slice3A_14 : vector<1x16384xf32>
    %add3A_31 = arith.addf %add3A_30, %slice3A_17 : vector<1x16384xf32>
    %add3A_32 = arith.addf %add3A_31, %slice3A_18 : vector<1x16384xf32>
    %sub3A_33 = arith.subf %add3A_29, %add3A_32 : vector<1x16384xf32>
    %add3A_34 = arith.addf %slice3A_9, %slice3A_10 : vector<1x16384xf32>
    %add3A_35 = arith.addf %add3A_34, %slice3A_11 : vector<1x16384xf32>
    %add3A_36 = arith.addf %add3A_35, %slice3A_12 : vector<1x16384xf32>
    %add3A_37 = arith.addf %slice3A_13, %slice3A_14 : vector<1x16384xf32>
    %add3A_38 = arith.addf %add3A_37, %slice3A_15 : vector<1x16384xf32>
    %add3A_39 = arith.addf %add3A_38, %slice3A_16 : vector<1x16384xf32>
    %sub3A_40 = arith.subf %add3A_36, %add3A_39 : vector<1x16384xf32>
    %sub3A_41 = arith.subf %slice3A, %slice3A_7 : vector<1x16384xf32>
    %sub3A_42 = arith.subf %sub3A_41, %slice3A_9 : vector<1x16384xf32>
    %mul3A = arith.constant 2.000000e+00 : f32
    %mul3A_43 = vector.broadcast %mul3A : f32 to vector<1x16384xf32>
    %mul3A_44 = arith.mulf %mul3A_43, %slice3A_11 : vector<1x16384xf32>
    %sub3A_45 = arith.subf %sub3A_42, %mul3A_44 : vector<1x16384xf32>
    %sub3A_46 = arith.subf %sub3A_45, %slice3A_12 : vector<1x16384xf32>
    %add3A_47 = arith.addf %sub3A_46, %slice3A_13 : vector<1x16384xf32>
    %mul3A_48 = arith.constant 2.000000e+00 : f32
    %mul3A_49 = vector.broadcast %mul3A_48 : f32 to vector<1x16384xf32>
    %mul3A_50 = arith.mulf %mul3A_49, %slice3A_14 : vector<1x16384xf32>
    %add3A_51 = arith.addf %add3A_47, %mul3A_50 : vector<1x16384xf32>
    %add3A_52 = arith.addf %add3A_51, %slice3A_16 : vector<1x16384xf32>
    %add3A_53 = arith.addf %add3A_52, %slice3A_18 : vector<1x16384xf32>
    %sub3A_54 = arith.subf %add3A_53, %slice3A_19 : vector<1x16384xf32>
    %convert_element_type3A = arith.truncf %add3A_26 : vector<1x16384xf32> to vector<1x16384xbf16>
    %bitcast_convert_type3A = tpu.bitcast %convert_element_type3A : vector<1x16384xbf16> -> vector<1x16384xi16>
    %convert_element_type3A_55 = arith.truncf %sub3A_33 : vector<1x16384xf32> to vector<1x16384xbf16>
    %bitcast_convert_type3A_56 = tpu.bitcast %convert_element_type3A_55 : vector<1x16384xbf16> -> vector<1x16384xi16>
    %convert_element_type3A_57 = arith.extui %bitcast_convert_type3A : vector<1x16384xi16> to vector<1x16384xi32>
    %convert_element_type3A_58 = arith.extui %bitcast_convert_type3A_56 : vector<1x16384xi16> to vector<1x16384xi32>
    %shift_left3A = arith.constant 16 : i32
    %shift_left3A_59 = vector.broadcast %shift_left3A : i32 to vector<1x16384xi32>
    %shift_left3A_60 = arith.shli %convert_element_type3A_58, %shift_left3A_59 : vector<1x16384xi32>
    %or3A = arith.ori %convert_element_type3A_57, %shift_left3A_60 : vector<1x16384xi32>
    %bitcast_convert_type3A_61 = tpu.bitcast %or3A : vector<1x16384xi32> -> vector<1x16384xi32>
    %swap3A = arith.constant 0 : index
    %swap3A_62 = arith.constant 0 : index
    %swap3A_63 = vector.load %arg3[%swap3A, %swap3A_62] : memref<1x16384xi32, #tpu.memory_space<vmem>>, vector<1x16384xi32>
    tpu.vector_store %arg3[%swap3A, %swap3A_62], %bitcast_convert_type3A_61 {strides = array<i32>} : memref<1x16384xi32, #tpu.memory_space<vmem>>, vector<1x16384xi32>,
    %convert_element_type3A_64 = arith.truncf %sub3A_40 : vector<1x16384xf32> to vector<1x16384xbf16>
    %bitcast_convert_type3A_65 = tpu.bitcast %convert_element_type3A_64 : vector<1x16384xbf16> -> vector<1x16384xi16>
    %convert_element_type3A_66 = arith.truncf %sub3A_54 : vector<1x16384xf32> to vector<1x16384xbf16>
    %bitcast_convert_type3A_67 = tpu.bitcast %convert_element_type3A_66 : vector<1x16384xbf16> -> vector<1x16384xi16>
    %convert_element_type3A_68 = arith.extui %bitcast_convert_type3A_65 : vector<1x16384xi16> to vector<1x16384xi32>
    %convert_element_type3A_69 = arith.extui %bitcast_convert_type3A_67 : vector<1x16384xi16> to vector<1x16384xi32>
    %shift_left3A_70 = arith.constant 16 : i32
    %shift_left3A_71 = vector.broadcast %shift_left3A_70 : i32 to vector<1x16384xi32>
    %shift_left3A_72 = arith.shli %convert_element_type3A_69, %shift_left3A_71 : vector<1x16384xi32>
    %or3A_73 = arith.ori %convert_element_type3A_68, %shift_left3A_72 : vector<1x16384xi32>
    %bitcast_convert_type3A_74 = tpu.bitcast %or3A_73 : vector<1x16384xi32> -> vector<1x16384xi32>
    %swap3A_75 = arith.constant 0 : index
    %swap3A_76 = arith.constant 0 : index
    %swap3A_77 = vector.load %arg4[%swap3A_75, %swap3A_76] : memref<1x16384xi32, #tpu.memory_space<vmem>>, vector<1x16384xi32>
    tpu.vector_store %arg4[%swap3A_75, %swap3A_76], %bitcast_convert_type3A_74 {strides = array<i32>} : memref<1x16384xi32, #tpu.memory_space<vmem>>, vector<1x16384xi32>,
    %get3A_78 = arith.constant 0 : index
    %get3A_79 = arith.constant 0 : index
    %get3A_80 = vector.load %arg1[%get3A_78, %get3A_79] : memref<1x16384xi32, #tpu.memory_space<vmem>>, vector<1x16384xi32>
    %get3A_81 = arith.constant 0 : index
    %get3A_82 = arith.constant 0 : index
    %get3A_83 = vector.load %arg2[%get3A_81, %get3A_82] : memref<1x16384xi32, #tpu.memory_space<vmem>>, vector<1x16384xi32>
    %shift_left3A_84 = arith.constant 14 : i32
    %shift_left3A_85 = vector.broadcast %shift_left3A_84 : i32 to vector<1x16384xi32>
    %shift_left3A_86 = arith.shli %get3A_83, %shift_left3A_85 : vector<1x16384xi32>
    %or3A_87 = arith.ori %get3A_80, %shift_left3A_86 : vector<1x16384xi32>
    %swap3A_88 = arith.constant 0 : index
    %swap3A_89 = arith.constant 0 : index
    %swap3A_90 = vector.load %arg5[%swap3A_88, %swap3A_89] : memref<1x16384xi32, #tpu.memory_space<vmem>>, vector<1x16384xi32>
    tpu.vector_store %arg5[%swap3A_88, %swap3A_89], %or3A_87 {strides = array<i32>} : memref<1x16384xi32, #tpu.memory_space<vmem>>, vector<1x16384xi32>,
    return
  }
}

</mosaic_0001>

<sc_bundles>
// kernel: kernel.4.cloned.1.call-start
scs
__scs_entry_jumppad:
0x0: {  	(pc) =	sbr.rel $0x88, $3  }
0x1: {  	(tag) =	ssettag $0x0;
	lr =	simm.s32 $0x1  }
0x2: {  	[smem:$0x3F9D] =	sst lr;
	_ =	strace $0xD0000000  }
0x3: {  	_ = 	snop  }
0x4: {  	_ = 	snop  }
0x5: {  	_ = 	snop  }
0x6: {  	_ = 	snop  }
0x7: {  	_ = 	snop  }
__scs_overlays_trampoline_lowered:
0x8: {  	[smem:$0x3FAC] =	sst s0  }
0x9: {  	[smem:$0x3FAD] =	sst s1  }
0xa: {  	[smem:$0x3FAE] =	sst s2  }
0xb: {  	[smem:$0x3FAF] =	sst s3  }
0xc: {  	[smem:$0x3FB0] =	sst s4  }
0xd: {  	[smem:$0x3FB1] =	sst s5  }
0xe: {  	[smem:$0x3FB2] =	sst s6  }
0xf: {  	[smem:$0x3FB3] =	sst s7  }
0x10: {  	[smem:$0x3FB4] =	sst s8  }
0x11: {  	[smem:$0x3FB5] =	sst s9;
	s0 =	simm.s32 @!p0 $0x0  }
0x12: {  	s1 =	sld [smem:$0x3F9B];
	s0 =	simm.s32 @p0 $0x1  }
0x13: {  	[smem:$0x3FB6] =	sst s0;
	s0 =	simm.s32 @!p1 $0x0  }
0x14: {  	s2 =	sld [smem:$0x3F9A];
	s0 =	simm.s32 @p1 $0x1  }
0x15: {  	[smem:$0x3FB7] =	sst s0;
	s0 =	simm.s32 @!p2 $0x0  }
0x16: {  	s3 =	sld [smem:$0x3FDB];
	s0 =	simm.s32 @p2 $0x1  }
0x17: {  	s4 =	simm.s32 $0x1BF5;
	[smem:$0x3FB9] =	sst s0  }
0x18: {  	s0 =	sld [smem:$0x3F9C];
	_ =	swait.ge [sflag:s4], $0x0  }
0x19: {  	s7 =	sld [smem:$0x3F9D]  }
0x1a: {  	s8 =	sadd.s32 $0xFFFFE003, lr  }
0x1b: {  	s9 =	sadd.s32 $0xFFFFFEF7, lr;
	s5 =	simm.s32 $0xFFFFFFFF;
	p2 =	slt.u32 s8, $0xFFFFF086  }
0x1c: {  	p1 =	slt.u32 s9, $0xF7A;
	s5 =	simm.s32 @!p2 $0x0  }
0x1d: {  	s5 =	simm.s32 @p1 $0x1;
	p0 =	seq.s32 s7, s2  }
0x1e: {  	s7 =	smul.u32 @!p0 $0xF7A, s2;
	p2 =	seq.s32 @!p0 s5, $0x0  }
0x1f: {  	s9 =	smul.u32 $0xF7A, s1;
	s8 =	simm.s32 @!p0 $0x1BF5;
	p2 =	por !p2, p0  }
0x20: {  	[sflag:s8] =	ssyncset.s32 @!p0 $0xFFFFF086;
	s6 =	sadd.s32 @!p0 s3, s7;
	s7 =	simm.s32 @!p0 $0x108  }
0x21: {  	s3 =	sadd.s32 s3, s9;
	s6 =	sadd.s32 @!p0 $0x88, s6;
	s7 =	simm.s32 @p2 $0x1082  }
0x22: {  	[simem:s7], [sflag:s8] =	dma.local @!p0 [hbm:s6], $0xF7A  }
0x23: {  	s9 =	sor.u32 $0xD0000000, s2;
	s6 =	simm.s32 $0x108;
	_ =	swait.ge @!p0 [sflag:s8], $0x0  }
0x24: {  	s3 =	sadd.s32 $0x88, s3;
	s6 =	simm.s32 @!p1 $0x1082;
	[sflag:s4] =	ssyncset.s32 $0xFFFFF086  }
0x25: {  	[simem:s6], [sflag:s4] =	dma.local [hbm:s3], $0xF7A  }
0x26: {  	[smem:$0x3F9D] =	sst s1;
	(tag) =	ssettag s2;
	_ =	strace s9  }
0x27: {  	s1 =	sld [smem:$0x3FAD]  }
0x28: {  	s2 =	sld [smem:$0x3FAE]  }
0x29: {  	s4 =	sld [smem:$0x3FB0]  }
0x2a: {  	p0 =	seq.s32 s5, $0x0;
	s5 =	sld [smem:$0x3FB1]  }
0x2b: {  	s6 =	sld [smem:$0x3FB2]  }
0x2c: {  	s7 =	sld [smem:$0x3FB3]  }
0x2d: {  	s3 =	simm.s32 $0x108;
	s8 =	sld [smem:$0x3FB4]  }
0x2e: {  	s3 =	simm.s32 @!p0 $0x1082;
	s9 =	sld [smem:$0x3FB5]  }
0x2f: {  	lr =	sadd.s32 s0, s3;
	s0 =	sld [smem:$0x3FAC]  }
0x30: {  	s3 =	sld [smem:$0x3FAF]  }
0x31: {  	[smem:$0x3FB8] =	sst s10  }
0x32: {  	s10 =	sld [smem:$0x3FB6];
	_ =	sdelay $0x3  }
0x33: {  	p0 =	seq.s32 s10, $0x1;
	s10 =	sld [smem:$0x3FB8];
	_ =	sdelay $0x3  }
0x34: {  	[smem:$0x3FB8] =	sst s10  }
0x35: {  	s10 =	sld [smem:$0x3FB7];
	_ =	sdelay $0x3  }
0x36: {  	p1 =	seq.s32 s10, $0x1;
	s10 =	sld [smem:$0x3FB8];
	_ =	sdelay $0x3  }
0x37: {  	[smem:$0x3FB8] =	sst s10  }
0x38: {  	s10 =	sld [smem:$0x3FB9]  }
0x39: {  	_ = 	snop;
	(pc) =	sbr.ind lr, $3  }
0x3a: {  	_ = 	snop  }
0x3b: {  	_ = 	snop  }
0x3c: {  	p2 =	seq.s32 s10, $0x1;
	s10 =	sld [smem:$0x3FB8]  }
0x3d: {  	_ =	shalt  }
0x3e: {  	_ =	shalt  }
0x3f: {  	_ =	shalt  }
0x40: {  	_ =	shalt  }
0x41: {  	_ =	shalt  }
0x42: {  	_ =	shalt  }
0x43: {  	_ =	shalt  }
0x44: {  	_ =	shalt  }
0x45: {  	_ =	shalt  }
0x46: {  	_ =	shalt  }
0x47: {  	_ =	shalt  }
0x48: {  	_ =	shalt  }
0x49: {  	_ =	shalt  }
0x4a: {  	_ =	shalt  }
0x4b: {  	_ =	shalt  }
0x4c: {  	_ =	shalt  }
0x4d: {  	_ =	shalt  }
0x4e: {  	_ =	shalt  }
0x4f: {  	_ =	shalt  }
0x50: {  	_ =	shalt  }
0x51: {  	_ =	shalt  }
0x52: {  	_ =	shalt  }
0x53: {  	_ =	shalt  }
0x54: {  	_ =	shalt  }
0x55: {  	_ =	shalt  }
0x56: {  	_ =	shalt  }
0x57: {  	_ =	shalt  }
0x58: {  	_ =	shalt  }
0x59: {  	_ =	shalt  }
0x5a: {  	_ =	shalt  }
0x5b: {  	_ =	shalt  }
0x5c: {  	_ =	shalt  }
0x5d: {  	_ =	shalt  }
0x5e: {  	_ =	shalt  }
0x5f: {  	_ =	shalt  }
0x60: {  	_ =	shalt  }
0x61: {  	_ =	shalt  }
0x62: {  	_ =	shalt  }
0x63: {  	_ =	shalt  }
0x64: {  	_ =	shalt  }
0x65: {  	_ =	shalt  }
0x66: {  	_ =	shalt  }
0x67: {  	_ =	shalt  }
0x68: {  	_ =	shalt  }
0x69: {  	_ =	shalt  }
0x6a: {  	_ =	shalt  }
0x6b: {  	_ =	shalt  }
0x6c: {  	_ =	shalt  }
0x6d: {  	_ =	shalt  }
0x6e: {  	_ =	shalt  }
0x6f: {  	_ =	shalt  }
0x70: {  	_ =	shalt  }
0x71: {  	_ =	shalt  }
0x72: {  	_ =	shalt  }
0x73: {  	_ =	shalt  }
0x74: {  	_ =	shalt  }
0x75: {  	_ =	shalt  }
0x76: {  	_ =	shalt  }
0x77: {  	_ =	shalt  }
0x78: {  	_ =	shalt  }
0x79: {  	_ =	shalt  }
0x7a: {  	_ =	shalt  }
0x7b: {  	_ =	shalt  }
0x7c: {  	_ =	shalt  }
0x7d: {  	_ =	shalt  }
0x7e: {  	_ =	shalt  }
0x7f: {  	_ =	shalt  }
0x80: {  	_ =	shalt  }
0x81: {  	_ =	shalt  }
0x82: {  	_ =	shalt  }
0x83: {  	_ =	shalt  }
0x84: {  	_ =	shalt  }
0x85: {  	_ =	shalt  }
0x86: {  	_ =	shalt  }
0x87: {  	_ =	shalt  }
.Lfunc_end0:
.L_simem_size_0:
called_computation_lowered:
.L_overlay_start_0:
0x88: {  	s2 =	sld [smem:$0x3FD9]  }
0x89: {  	s3 =	sld [smem:$0x3FFE];
	_ =	sdelay $0x1  }
0x8a: {  	s1 =	srdreg.scid  }
0x8b: {  	s0 =	sand.u32 $0x1, s1  }
0x8c: {  	s17 =	sshll.u32 s0, $0xA;
	s2 =	sadd.s32 s3, s2  }
0x8d: {  	s2 =	sadd.s32 s2, s17  }
0x8e: {  	[smem:$0x3FC4] =	sst s2  }
0x8f: {  	_ = 	snop  }
0x90: {  	s2 =	sld [smem:$0x3FC9]  }
0x91: {  	s18 =	sld [smem:$0x3FD0];
	(tm) =	ssettm $0x1  }
0x92: {  	s4 =	sld [smem:$0x3FFB];
	_ =	sdelay $0x3  }
0x93: {  	_ =	strace s4  }
0x94: {  	s4 =	sld [smem:$0x3FFC];
	_ =	sdelay $0x3  }
0x95: {  	_ =	strace s4  }
0x96: {  	s4 =	sld [smem:$0x3FFD];
	_ =	sdelay $0x3  }
0x97: {  	_ =	strace s4  }
0x98: {  	_ =	strace $0x8FFFFFFF  }
0x99: {  	s19 =	sld [smem:$0x3FDB];
	_ =	sdelay $0x1  }
0x9a: {  	s5 =	simm.s32 $_scs_section_size  }
0x9b: {  	s6 =	simm.s32 $_size__tile_overlayer_lowered;
	s7 =	simm.s32 $_tile_overlayer_lowered  }
0x9c: {  	s22 =	simm.s32 $0x1BFF;
	s21 =	sshll.u32 s7, $0x1;
	s4 =	sadd.s32 s5, s19  }
0x9d: {  	s8 =	simm.s32 $0x0;
	s20 =	sshll.u32 s6, $0x1;
	s6 =	sadd.s32 s21, s4  }
0x9e: {  	[timem:s8], [sflag:s22] =	dma.local [hbm:s6], s20  }
0x9f: {  	_ =	swait.ge [sflag:s22], s20  }
0xa0: {  	s5 =	ssub.s32 $0x0, s20;
	[sflag:s22] =	ssyncset.done $0x0  }
0xa1: {  	[sflag:s22] =	ssyncadd.s32 s5;
	_ =	sdelay $0x1  }
0xa2: {  	s23 =	simm.s32 $0x1B8B  }
0xa3: {  	_ =	swait.ge [sflag:s23], $0x1  }
0xa4: {  	[sflag:s23] =	ssyncset.done $0x0  }
0xa5: {  	s25 =	simm.s32 $0x1B8E;
	s24 =	sld [smem:$0x3FFE];
	[sflag:s23] =	ssyncadd.s32 $0xFFFFFFFF  }
0xa6: {  	s26 =	simm.s32 $execute0_lowered;
	[smem:$0x3FD2] =	sst s25  }
0xa7: {  	s6 =	sshll.u32 s26, $0x1;
	_ =	strace $0x80000046;
	[dreg:$0x1] =	wrdreg $0xFFFFFFFF  }
0xa8: {  	s28 =	simm.s32 $_size_execute0_lowered;
	s4 =	sadd.s32 s4, s6;
	[dreg:$0x0] =	wrdreg $0x0  }
0xa9: {  	s6 =	sshll.u32 s28, $0x1;
	[dreg:$0x2] =	wrdreg s4  }
0xaa: {  	[dreg:$0x3] =	wrdreg s6  }
0xab: {  	[dreg:$0x4] =	wrdreg $0xC0  }
0xac: {  	_ =	task [dreg:s8], $0x5FFFF  }
0xad: {  	[dreg:$0x1] =	wrdreg $0xFFFFFFFF  }
0xae: {  	[dreg:$0x0] =	wrdreg $0x60  }
0xaf: {  	[dreg:$0x2] =	wrdreg s2  }
0xb0: {  	[dreg:$0x3] =	wrdreg s24  }
0xb1: {  	[dreg:$0x4] =	wrdreg s18  }
0xb2: {  	[dreg:$0x5] =	wrdreg $0x9  }
0xb3: {  	_ =	task.clear_ibuf [dreg:s8], $0x6FFFF;
	_ =	strace $0x90000046  }
0xb4: {  	s29 =	simm.s32 $0x9;
	_ =	strace $0x80000048  }
0xb5: {  	_ =	swait.ge [sflag:s29], $0x1  }
0xb6: {  	[sflag:s29] =	ssyncadd.s32 $0xFFFFFFFF  }
0xb7: {  	_ =	strace $0x90000048  }
0xb8: {  	_ =	sfence  }
0xb9: {  	s30 =	sld [smem:$0x0];
	_ =	sdelay $0x2  }
0xba: {  	s31 =	sshll.u32 s1, $0xD;
	s1 =	sshrl.u32 s1, $0x2  }
0xbb: {  	s3 =	sand.u32 $0x4000, s31;
	s1 =	sadd.s32 s1, s30  }
0xbc: {  	s0 =	sor.u32 s3, s0;
	s1 =	sshll.u32 s1, $0x11  }
0xbd: {  	s0 =	sor.u32 s1, s0  }
0xbe: {  	s0 =	sadd.s32 $0x8F2B, s0  }
0xbf: {  	[sflag:s0] =	ssyncadd.remote.s32 $0x1  }
0xc0: {  	_ =	sfence.sel $0xFFFF  }
0xc1: {  	[dreg:$0x0] =	wrdreg $0xFFFFFFFF;
	(pc) =	sbr.abs _section_cstart, $3  }
0xc2: {  	[dreg:$0x1] =	wrdreg $0xFFFFFFFF  }
0xc3: {  	_ =	task.clear_ibuf [dreg:s8], $0x2FFFF;
	_ =	strace $0x9FFFFFFF  }
0xc4: {  	(tm) =	ssettm $0x7FFFFFFF  }
0xc5: {  	_ =	shalt  }
tec
execute0_lowered:
.L_overlay_start_1:
0x0: {  	(tag) =	ssettag $0x1  }
0x1: {  	s26 =	rddreg [dreg:$0x0]  }
0x2: {  	s0 =	rddreg [dreg:$0x1]  }
0x3: {  	s3 =	rddreg [dreg:$0x2];
	s1 =	srdreg.scid  }
0x4: {  	s4 =	simm.s32 $0x0;
	s2 =	stileid.u32;
	s15 =	simm.s32 $0x80  }
0x5: {  	s16 =	simm.s32 $0x400;
	s17 =	simm.s32 $0xC000;
	s18 =	simm.s32 $0x10000  }
0x6: {  	s19 =	simm.s32 $0x3;
	s1 =	sand.u32 $0x1, s1;
	[smem:$0x7FF] =	sst s4  }
0x7: {  	s2 =	sshll.u32 s2, $0x6;
	s5 =	sadd.s32 $0x2200, s0;
	s24 =	sadd.s32 $0x1200, s0  }
0x8: {  	s23 =	sshll.u32 s1, $0x5;
	_ =	strace $0x80000047;
	[dreg:$0x4] =	wrdreg s5  }
0x9: {  	s0 =	sadd.s32 $0x1A00, s0;
	[dreg:$0x5] =	wrdreg s24;
	s2 =	sor.u32 s23, s2  }
0xa: {  	s1 =	ssub.s32 $0x2, s1;
	[dreg:$0x7] =	wrdreg s0;
	s25 =	sshll.u32 s2, $0xB  }
0xb: {  	s28 =	sshrl.u32 s1, $0x1;
	s31 =	sshll.u32 s2, $0xE;
	[dreg:$0x6] =	wrdreg s25  }
0xc: {  	s0 =	ssub.s32 s1, s28;
	s4 =	sadd.s32 s26, s25;
	[dreg:$0xa] =	wrdreg s31  }
0xd: {  	s20 =	simm.s32 $0x14000;
	s0 =	smax.u32 s0, $0x1;
	[dreg:$0x8] =	wrdreg s4  }
0xe: {  	s21 =	simm.s32 $0x18000;
	s30 =	sadd.s32 $0x10, s4;
	[dreg:$0xb] =	wrdreg s0  }
0xf: {  	s29 =	simm.s32 $0x4;
	s1 =	simm.s32 $0x0;
	[dreg:$0x9] =	wrdreg s30  }
.LBB2_1:
0x10: {  	[dreg:$0xc] =	wrdreg s1  }
0x11: {  	s0 =	simm.s32 $0x0;
	s22 =	rddreg [dreg:$0x4]  }
0x12: {  	[tilespmem:s0], [sflag:$0x3] =	stream.linear.gather [hbm4b:s22+s0], $0x4000, $0x38;
	[tilespmem:$0x1E000] =	vst v63  }
0x13: {  	s23 =	rddreg [dreg:$0x5];
	s2 =	simm.s32 $0x4000  }
0x14: {  	[tilespmem:s2], [sflag:$0x3] =	stream.linear.gather [hbm4b:s23+s0], $0x4000, $0x38;
	[tilespmem:$0x1E000] =	vst v63  }
0x15: {  	s24 =	rddreg [dreg:$0x7];
	s25 =	simm.s32 $0x8000  }
0x16: {  	[tilespmem:s25], [sflag:$0x3] =	stream.linear.gather [hbm4b:s24+s0], $0x4000, $0x38;
	[tilespmem:$0x1E000] =	vst v63  }
0x17: {  	s28 =	rddreg [dreg:$0x8]  }
0x18: {  	[tilespmem:s17], [sflag:$0x1] =	stream.strided.gather [hbm4b:s28+s15], $0x4000, s16, s15, $0x38;
	[tilespmem:$0x1E000] =	vst v63  }
0x19: {  	s30 =	rddreg [dreg:$0x9]  }
0x1a: {  	[tilespmem:s18], [sflag:$0x1] =	stream.strided.gather [hbm4b:s30+s15], $0x4000, s16, s15, $0x38;
	[tilespmem:$0x1E000] =	vst v63  }
0x1b: {  	_ =	swait.ge [sflag:s19], $0x4000  }
0x1c: {  	[sflag:s19] =	ssyncset.done $0x0  }
0x1d: {  	[sflag:s19] =	ssyncadd.s32 $0xFFFFC000  }
0x1e: {  	_ =	swait.ge [sflag:s19], $0x4000  }
0x1f: {  	[sflag:s19] =	ssyncset.done $0x0  }
0x20: {  	[sflag:s19] =	ssyncadd.s32 $0xFFFFC000  }
0x21: {  	_ =	swait.ge [sflag:s19], $0x4000  }
0x22: {  	[sflag:s19] =	ssyncset.done $0x0  }
0x23: {  	s31 =	simm.s32 $0x0;
	[sflag:s19] =	ssyncadd.s32 $0xFFFFC000  }
.LBB2_2:
0x24: {  	s0 =	sshll.u32 s31, $0x10;
	s1 =	sshll.u32 s31, $0x9  }
0x25: {  	s24 =	rddreg [dreg:$0xa];
	s0 =	sand.u32 $0x60000, s0;
	s14 =	sand.u32 $0x200, s1  }
0x26: {  	s0 =	sor.u32 s24, s0;
	s2 =	sor.u32 $0x100, s14  }
0x27: {  	s1 =	sor.u32 s2, s0  }
0x28: {  	s13 =	sor.u32 $0x180, s14;
	s1 =	sshrl.u32 s1, $0x3  }
0x29: {  	s25 =	sor.u32 s13, s0;
	s1 =	sadd.s32 s26, s1  }
0x2a: {  	[tilespmem:s20], [sflag:$0x2] =	stream.strided.gather [hbm4b:s1+s15], $0x4000, s16, s15, $0x38;
	[tilespmem:$0x1E000] =	vst v63  }
0x2b: {  	s1 =	sshrl.u32 s25, $0x3  }
0x2c: {  	s28 =	simm.s32 $0x1;
	s1 =	sadd.s32 s26, s1  }
0x2d: {  	[tilespmem:s21], [sflag:$0x2] =	stream.strided.gather [hbm4b:s1+s15], $0x4000, s16, s15, $0x38;
	[tilespmem:$0x1E000] =	vst v63  }
0x2e: {  	_ =	swait.ge [sflag:s28], $0x4000  }
0x2f: {  	s6 =	sshll.u32 s31, $0x4;
	[sflag:s28] =	ssyncset.done $0x0  }
0x30: {  	s8 =	simm.s32 $0x0;
	s10 =	simm.s32 $0x8020;
	[sflag:s28] =	ssyncadd.s32 $0xFFFFC000  }
0x31: {  	s12 =	simm.s32 $0x4020;
	s9 =	simm.s32 $0x20;
	_ =	swait.ge [sflag:s28], $0x4000  }
0x32: {  	s4 =	simm.s32 $0x8830;
	s30 =	simm.s32 $0x4830;
	[sflag:s28] =	ssyncset.done $0x0  }
0x33: {  	s7 =	simm.s32 $0x830;
	s5 =	sor.u32 $0x80, s14;
	[sflag:s28] =	ssyncadd.s32 $0xFFFFC000  }
.LBB2_3:
0x34: {  	s1 =	sor.u32 s31, s8  }
0x35: {  	p0 =	seq.s32 s1, $0x0  }
0x36: {  	s1 =	simm.s32 @!p0 $0x3  }
0x37: {  	_ =	swait.ge @!p0 [sflag:s1], $0x800  }
0x38: {  	[sflag:s1] =	ssyncset.done @!p0 $0x0  }
0x39: {  	[sflag:s1] =	ssyncadd.s32 @!p0 $0xFFFFF800  }
0x3a: {  	_ =	swait.ge @!p0 [sflag:s1], $0x800  }
0x3b: {  	[sflag:s1] =	ssyncset.done @!p0 $0x0  }
0x3c: {  	[sflag:s1] =	ssyncadd.s32 @!p0 $0xFFFFF800  }
0x3d: {  	v0 =	vld [tilespmem:s9+$0x10];
	_ =	sdelay $0x3  }
0x3e: {  	v1 =	vld [tilespmem:s9+$0xFFFFFFE0]  }
0x3f: {  	v2 =	vld [tilespmem:s9+$0xFFFFFFF0];
	v4 =	vshrl.u32 v0, $0xE  }
0x40: {  	v3 =	vld [tilespmem:s9+$0x0]  }
0x41: {  	v5 =	vld [tilespmem:s10+$0x10]  }
0x42: {  	v10 =	vld [tilespmem:s12+$0x10]  }
0x43: {  	v11 =	vld [tilespmem:s10+$0xFFFFFFE0];
	v6 =	vand.u32 $0x3FFF, v0  }
0x44: {  	v7 =	vshrl.u32 v1, $0xE;
	v8 =	vld.idx.msk [tilespmem:v4+s17+$0x0], $0xffff  }
0x45: {  	v12 =	vld [tilespmem:s10+$0xFFFFFFF0];
	v9 =	vshrl.u32 v2, $0xE  }
0x46: {  	v18 =	vld [tilespmem:s12+$0xFFFFFFE0]  }
0x47: {  	v19 =	vld [tilespmem:s12+$0xFFFFFFF0]  }
0x48: {  	v14 =	vand.u32 $0xFFFF0000, v5;
	v29 =	vand.u32 $0x3FFF, v1;
	v13 =	vld.idx.msk [tilespmem:v6+s17+$0x0], $0xffff  }
0x49: {  	v1 =	vand.u32 $0x3FFF, v2;
	v15 =	vld.idx.msk [tilespmem:v7+s17+$0x0], $0xffff;
	v0 =	vmul.f32 v14, v8  }
0x4a: {  	v17 =	vand.u32 $0xFFFF0000, v10;
	v16 =	vld.idx.msk [tilespmem:v9+s17+$0x0], $0xffff  }
0x4b: {  	s23 =	sadd.s32 $0x40, s9;
	v28 =	vld [tilespmem:s12+$0x0];
	v30 =	vshrl.u32 v3, $0xE;
	v2 =	vadd.f32 v17, v0  }
0x4c: {  	v31 =	vld [tilespmem:s23+$0x0];
	v20 =	vand.u32 $0xFFFF0000, v11;
	v21 =	vand.u32 $0xFFFF0000, v12  }
0x4d: {  	v22 =	vshll.u32 v10, $0x10;
	v0 =	vand.u32 $0x3FFF, v3;
	v3 =	vld.idx.msk [tilespmem:v29+s17+$0x0], $0xffff;
	v2 =	vmul.f32 v2, v13  }
0x4e: {  	v23 =	vshll.u32 v5, $0x10;
	v26 =	vand.u32 $0xFFFF0000, v18;
	v10 =	vld.idx.msk [tilespmem:v1+s17+$0x0], $0xffff;
	v5 =	vmul.f32 v20, v15  }
0x4f: {  	v35 =	vld [tilespmem:s23+$0xFFFFFFE0];
	v8 =	vmul.f32 v23, v8;
	v24 =	vmul.f32 v21, v16;
	v2 =	vadd.f32 v22, v2  }
0x50: {  	v27 =	vand.u32 $0xFFFF0000, v19;
	v25 =	vld.idx.msk [tilespmem:v30+s17+$0x0], $0xffff;
	v5 =	vadd.f32 v26, v5  }
0x51: {  	v13 =	vld [tilespmem:s10+$0x0];
	v2 =	vadd.f32 v2, v8;
	v8 =	vadd.f32 v27, v24  }
0x52: {  	s11 =	simm.s32 $0x1C020;
	s1 =	sadd.s32 $0x40, s10;
	v5 =	vmul.f32 v5, v3;
	v24 =	vshll.u32 v11, $0x10;
	v11 =	vld [tilespmem:s23+$0x10]  }
0x53: {  	v37 =	vld [tilespmem:s1+$0x10];
	v32 =	vshll.u32 v12, $0x10;
	v3 =	vshll.u32 v18, $0x10;
	[tilespmem:s11+$0x10] =	vst v2;
	v8 =	vmul.f32 v8, v10  }
0x54: {  	s22 =	sadd.s32 $0x40, s12;
	v10 =	vmul.f32 v24, v15;
	v2 =	vshll.u32 v19, $0x10;
	v18 =	vld.idx.msk [tilespmem:v4+s18+$0x0], $0xffff;
	v4 =	vadd.f32 v3, v5  }
0x55: {  	v59 =	vld [tilespmem:s22+$0x10];
	v5 =	vmul.f32 v32, v16;
	v8 =	vadd.f32 v2, v8  }
0x56: {  	v12 =	vld.idx.msk [tilespmem:v0+s17+$0x0], $0xffff;
	v4 =	vadd.f32 v4, v10;
	v10 =	vand.u32 $0xFFFF0000, v13  }
0x57: {  	v33 =	vld.idx.msk [tilespmem:v6+s18+$0x0], $0xffff;
	v34 =	vshrl.u32 v11, $0xE;
	v6 =	vadd.f32 v8, v5;
	v8 =	vmul.f32 v10, v25  }
0x58: {  	v16 =	vld [tilespmem:s23+$0xFFFFFFF0];
	v5 =	vand.u32 $0xFFFF0000, v28  }
0x59: {  	v43 =	vld [tilespmem:s22+$0xFFFFFFE0];
	[tilespmem:s11+$0xFFFFFFE0] =	vst v4;
	v4 =	vadd.f32 v5, v8;
	v8 =	vmul.f32 v14, v18  }
0x5a: {  	v7 =	vld.idx.msk [tilespmem:v7+s18+$0x0], $0xffff;
	[tilespmem:s11+$0xFFFFFFF0] =	vst v6  }
0x5b: {  	v15 =	vshrl.u32 v35, $0xE;
	v19 =	vand.u32 $0x3FFF, v11;
	v14 =	vld.idx.msk [tilespmem:v9+s18+$0x0], $0xffff;
	v8 =	vadd.f32 v17, v8  }
0x5c: {  	v11 =	vshrl.u32 v31, $0xE;
	v6 =	vshll.u32 v13, $0x10;
	v9 =	vmul.f32 v4, v12;
	v38 =	vld.idx.msk [tilespmem:v34+s17+$0x0], $0xffff  }
0x5d: {  	v39 =	vld [tilespmem:s1+$0xFFFFFFF0];
	v13 =	vshrl.u32 v16, $0xE;
	v4 =	vshll.u32 v28, $0x10;
	v17 =	vmul.f32 v8, v33  }
0x5e: {  	v48 =	vld [tilespmem:s22+$0x0];
	v12 =	vmul.f32 v6, v25;
	v25 =	vand.u32 $0xFFFF0000, v37;
	v9 =	vadd.f32 v4, v9  }
0x5f: {  	v28 =	vld [tilespmem:s1+$0xFFFFFFE0];
	v8 =	vand.u32 $0x3FFF, v16;
	v16 =	vadd.f32 v22, v17;
	v17 =	vmul.f32 v23, v18  }
0x60: {  	v33 =	vshll.u32 v43, $0x10;
	v42 =	vadd.f32 v9, v12;
	v22 =	vld.idx.msk [tilespmem:v19+s17+$0x0], $0xffff;
	v9 =	vand.u32 $0x3FFF, v31  }
0x61: {  	v46 =	vld [tilespmem:s22+$0xFFFFFFF0];
	v18 =	vmul.f32 v20, v7;
	v44 =	vadd.f32 v16, v17;
	v16 =	vmul.f32 v25, v38  }
0x62: {  	v60 =	vld.idx.msk [tilespmem:v15+s17+$0x0], $0xffff;
	v12 =	vand.u32 $0x3FFF, v35;
	v17 =	vmul.f32 v24, v7;
	v24 =	vand.u32 $0xFFFF0000, v59  }
0x63: {  	v47 =	vld.idx.msk [tilespmem:v13+s17+$0x0], $0xffff;
	v20 =	vmul.f32 v21, v14;
	v31 =	vadd.f32 v26, v18;
	v26 =	vadd.f32 v24, v16  }
0x64: {  	v23 =	vld [tilespmem:s1+$0x0];
	v35 =	vand.u32 $0xFFFF0000, v48;
	v7 =	vmul.f32 v32, v14;
	v18 =	vand.u32 $0xFFFF0000, v28  }
0x65: {  	v36 =	vld.idx.msk [tilespmem:v11+s17+$0x0], $0xffff;
	v21 =	vadd.f32 v27, v20;
	v14 =	vshll.u32 v39, $0x10;
	v22 =	vmul.f32 v26, v22  }
0x66: {  	v20 =	vand.u32 $0xFFFF0000, v39;
	v27 =	vshll.u32 v37, $0x10;
	[tilespmem:s11+$0x0] =	vst v42;
	v26 =	vshll.u32 v59, $0x10  }
0x67: {  	v61 =	vmul.f32 v18, v60;
	v62 =	vmul.f32 v27, v38;
	v39 =	vld.idx.msk [tilespmem:v30+s18+$0x0], $0xffff;
	v22 =	vadd.f32 v26, v22  }
0x68: {  	s28 =	simm.s32 $0x1D020;
	v30 =	vshll.u32 v46, $0x10;
	v16 =	vshll.u32 v28, $0x10;
	v63 =	vmul.f32 v20, v47;
	v40 =	vld.idx.msk [tilespmem:v12+s17+$0x0], $0xffff  }
0x69: {  	v41 =	vld.idx.msk [tilespmem:v8+s17+$0x0], $0xffff;
	[tilespmem:s28+$0x10] =	vst v44;
	v44 =	vmul.f32 v14, v47;
	v32 =	vand.u32 $0xFFFF0000, v23;
	v50 =	vadd.f32 v22, v62  }
0x6a: {  	s24 =	simm.s32 $0x1C060;
	v28 =	vshll.u32 v23, $0x10;
	v23 =	vand.u32 $0xFFFF0000, v43;
	v42 =	vld.idx.msk [tilespmem:v9+s17+$0x0], $0xffff;
	v49 =	vmul.f32 v32, v36  }
0x6b: {  	s25 =	simm.s32 $0x4;
	v38 =	vmul.f32 v16, v60;
	v43 =	vld.idx.msk [tilespmem:v29+s18+$0x0], $0xffff;
	v45 =	vadd.f32 v23, v61;
	v22 =	vand.u32 $0xFFFF0000, v46;
	[tilespmem:s24+$0x10] =	vst v50  }
0x6c: {  	s26 =	sadd.s32 $0x40, s23;
	s23 =	simm.s32 $0x1D020;
	s11 =	sshll.u32 s8, $0x1;
	v29 =	vshll.u32 v48, $0x10;
	v47 =	vadd.f32 v35, v49;
	v46 =	vadd.f32 v22, v63;
	v37 =	vld.idx.msk [tilespmem:v34+s18+$0x0], $0xffff  }
.LBB2_4:
0x6d: {  	v48 =	vld [tilespmem:s26+$0x10];
	s25 =	sadd.s32 $0x4, s25;
	v34 =	vmul.f32 v45, v40;
	v36 =	vmul.f32 v28, v36  }
0x6e: {  	v41 =	vmul.f32 v46, v41;
	v40 =	vld [tilespmem:s26+$0xFFFFFFF0];
	p0 =	slt.u32 s25, $0x7C  }
0x6f: {  	v42 =	vmul.f32 v47, v42;
	v45 =	vld [tilespmem:s26+$0x0];
	v34 =	vadd.f32 v33, v34  }
0x70: {  	v41 =	vadd.f32 v30, v41;
	v46 =	vld.idx.msk [tilespmem:v19+s18+$0x0], $0xffff;
	v19 =	vmul.f32 v10, v39;
	v39 =	vmul.f32 v6, v39  }
0x71: {  	v31 =	vmul.f32 v31, v43;
	v6 =	vmovc v28;
	v47 =	vld [tilespmem:s26+$0xFFFFFFE0];
	v49 =	vadd.f32 v34, v38;
	v38 =	vadd.f32 v29, v42  }
0x72: {  	v28 =	vadd.f32 v41, v44;
	v25 =	vmul.f32 v25, v37;
	v34 =	vshrl.u32 v48, $0xE;
	v41 =	vld.idx.msk [tilespmem:v1+s18+$0x0], $0xffff;
	v1 =	vmovc v8  }
0x73: {  	v42 =	vshrl.u32 v40, $0xE;
	v8 =	vand.u32 $0x3FFF, v40;
	[tilespmem:s24+$0xFFFFFFE0] =	vst v49;
	v36 =	vadd.f32 v38, v36;
	v38 =	vld.idx.msk [tilespmem:v0+s18+$0x0], $0xffff;
	v0 =	vmovc v9  }
0x74: {  	v10 =	vmovc v32;
	v24 =	vadd.f32 v24, v25;
	v43 =	vshrl.u32 v45, $0xE;
	v9 =	vand.u32 $0x3FFF, v45;
	v40 =	vld.idx.msk [tilespmem:v15+s18+$0x0], $0xffff;
	[tilespmem:s24+$0xFFFFFFF0] =	vst v28  }
0x75: {  	s1 =	sadd.s32 $0x40, s1;
	v25 =	vadd.f32 v3, v31;
	v31 =	vadd.f32 v5, v19;
	v28 =	vld.idx.msk [tilespmem:v13+s18+$0x0], $0xffff;
	[tilespmem:s24+$0x0] =	vst v36;
	v13 =	vmov v42  }
0x76: {  	v19 =	vand.u32 $0x3FFF, v48;
	v3 =	vmovc v33;
	v5 =	vmovc v35;
	v24 =	vmul.f32 v24, v46;
	v15 =	vshrl.u32 v47, $0xE;
	v42 =	vld [tilespmem:s1+$0x10]  }
0x77: {  	v17 =	vadd.f32 v25, v17;
	v44 =	vand.u32 $0x3FFF, v47;
	v33 =	vld.idx.msk [tilespmem:v34+s17+$0x0], $0xffff  }
0x78: {  	s22 =	sadd.s32 $0x40, s22;
	v25 =	vmul.f32 v27, v37;
	v24 =	vadd.f32 v26, v24;
	v21 =	vmul.f32 v21, v41;
	v32 =	vld [tilespmem:s1+$0xFFFFFFE0]  }
0x79: {  	v27 =	vmul.f32 v31, v38;
	v26 =	vld [tilespmem:s22+$0x10];
	[tilespmem:s28+$0xFFFFFFE0] =	vst v17  }
0x7a: {  	v18 =	vmul.f32 v18, v40;
	v24 =	vadd.f32 v24, v25;
	v36 =	vadd.f32 v2, v21;
	v2 =	vmovc v30;
	v35 =	vld [tilespmem:s1+$0xFFFFFFF0]  }
0x7b: {  	v17 =	vmul.f32 v16, v40;
	s28 =	sadd.s32 $0x40, s28;
	v20 =	vmul.f32 v20, v28;
	v27 =	vadd.f32 v4, v27;
	v30 =	vld.idx.msk [tilespmem:v19+s17+$0x0], $0xffff  }
0x7c: {  	v14 =	vmul.f32 v14, v28;
	v4 =	vmovc v29;
	v25 =	vand.u32 $0xFFFF0000, v42;
	v31 =	vadd.f32 v23, v18;
	v37 =	vld [tilespmem:s1+$0x0];
	[tilespmem:s28+$0x10] =	vst v24  }
0x7d: {  	v28 =	vmul.f32 v25, v33;
	v16 =	vshll.u32 v32, $0x10;
	v18 =	vand.u32 $0xFFFF0000, v32;
	v23 =	vld.idx.msk [tilespmem:v15+s17+$0x0], $0xffff  }
0x7e: {  	v21 =	vadd.f32 v22, v20;
	v22 =	vadd.f32 v36, v7;
	v7 =	vmovc v14;
	v29 =	vld.idx.msk [tilespmem:v13+s17+$0x0], $0xffff;
	v24 =	vand.u32 $0xFFFF0000, v26  }
0x7f: {  	v14 =	vshll.u32 v35, $0x10;
	v20 =	vand.u32 $0xFFFF0000, v35;
	v36 =	vld.idx.msk [tilespmem:v43+s17+$0x0], $0xffff;
	v35 =	vadd.f32 v24, v28  }
0x80: {  	v45 =	vld [tilespmem:s22+$0xFFFFFFE0];
	[tilespmem:s23+$0xFFFFFFF0] =	vst v22;
	v22 =	vadd.f32 v27, v39  }
0x81: {  	v46 =	vld [tilespmem:s22+$0xFFFFFFF0];
	v28 =	vshll.u32 v37, $0x10;
	v32 =	vand.u32 $0xFFFF0000, v37;
	v30 =	vmul.f32 v35, v30  }
0x82: {  	v26 =	vshll.u32 v26, $0x10;
	v27 =	vshll.u32 v42, $0x10;
	v37 =	vld [tilespmem:s22+$0x0];
	[tilespmem:s23+$0x0] =	vst v22;
	s23 =	smov.u32 s28  }
0x83: {  	v33 =	vmul.f32 v27, v33;
	v22 =	vmul.f32 v18, v23;
	v40 =	vld.idx.msk [tilespmem:v44+s17+$0x0], $0xffff;
	v30 =	vadd.f32 v26, v30  }
.Ltmp0:
0x84: {  	v38 =	vmul.f32 v16, v23;
	v35 =	vmul.f32 v20, v29;
	v41 =	vld.idx.msk [tilespmem:v8+s17+$0x0], $0xffff;
	(pc) =	sbr.rel @p0 .LBB2_4-.Ltmp0, $4  }
0x85: {  	v47 =	vmul.f32 v32, v36;
	v23 =	vand.u32 $0xFFFF0000, v45;
	v42 =	vld.idx.msk [tilespmem:v9+s17+$0x0], $0xffff;
	v48 =	vadd.f32 v30, v33  }
0x86: {  	s24 =	sadd.s32 $0x40, s24;
	v33 =	vshll.u32 v45, $0x10;
	v45 =	vadd.f32 v23, v22;
	v22 =	vand.u32 $0xFFFF0000, v46;
	v39 =	vld.idx.msk [tilespmem:v11+s18+$0x0], $0xffff;
	v11 =	vmovc v43  }
0x87: {  	v30 =	vshll.u32 v46, $0x10;
	v46 =	vadd.f32 v22, v35;
	v35 =	vand.u32 $0xFFFF0000, v37;
	[tilespmem:s24+$0x10] =	vst v48;
	v43 =	vld.idx.msk [tilespmem:v12+s18+$0x0], $0xffff;
	v12 =	vmovc v44  }
0x88: {  	s26 =	sadd.s32 $0x40, s26;
	v44 =	vmul.f32 v14, v29;
	v29 =	vshll.u32 v37, $0x10;
	v47 =	vadd.f32 v35, v47;
	v37 =	vld.idx.msk [tilespmem:v34+s18+$0x0], $0xffff  }
0x89: {  	v34 =	vmul.f32 v45, v40  }
0x8a: {  	v56 =	vmul.f32 v46, v41  }
0x8b: {  	v57 =	vmul.f32 v47, v42;
	v34 =	vadd.f32 v33, v34  }
0x8c: {  	v40 =	vadd.f32 v30, v56  }
0x8d: {  	v36 =	vmul.f32 v28, v36;
	v19 =	vld.idx.msk [tilespmem:v19+s18+$0x0], $0xffff;
	v58 =	vadd.f32 v29, v57;
	v34 =	vadd.f32 v34, v38  }
0x8e: {  	v1 =	vld.idx.msk [tilespmem:v1+s18+$0x0], $0xffff;
	v40 =	vadd.f32 v40, v44  }
0x8f: {  	v0 =	vld.idx.msk [tilespmem:v0+s18+$0x0], $0xffff;
	v59 =	vadd.f32 v58, v36;
	[tilespmem:s24+$0xFFFFFFE0] =	vst v34  }
0x90: {  	v10 =	vmul.f32 v10, v39;
	v25 =	vmul.f32 v25, v37;
	[tilespmem:s24+$0xFFFFFFF0] =	vst v40;
	v15 =	vld.idx.msk [tilespmem:v15+s18+$0x0], $0xffff  }
0x91: {  	v31 =	vmul.f32 v31, v43;
	v13 =	vld.idx.msk [tilespmem:v13+s18+$0x0], $0xffff;
	[tilespmem:s24+$0x0] =	vst v59  }
0x92: {  	v5 =	vadd.f32 v5, v10;
	v24 =	vadd.f32 v24, v25;
	v11 =	vld.idx.msk [tilespmem:v11+s18+$0x0], $0xffff  }
0x93: {  	v3 =	vadd.f32 v3, v31;
	v1 =	vmul.f32 v21, v1  }
0x94: {  	v0 =	vmul.f32 v5, v0;
	v12 =	vld.idx.msk [tilespmem:v12+s18+$0x0], $0xffff;
	v19 =	vmul.f32 v24, v19  }
0x95: {  	v3 =	vadd.f32 v3, v17;
	v8 =	vld.idx.msk [tilespmem:v8+s18+$0x0], $0xffff;
	v1 =	vadd.f32 v2, v1;
	v10 =	vmul.f32 v18, v15  }
0x96: {  	v9 =	vld.idx.msk [tilespmem:v9+s18+$0x0], $0xffff;
	v17 =	vadd.f32 v26, v19;
	v18 =	vmul.f32 v27, v37;
	v19 =	vmul.f32 v20, v13  }
0x97: {  	v0 =	vadd.f32 v4, v0;
	v20 =	vmul.f32 v32, v11;
	v10 =	vadd.f32 v23, v10  }
0x98: {  	v6 =	vmul.f32 v6, v39;
	v5 =	vadd.f32 v17, v18;
	v17 =	vadd.f32 v22, v19  }
0x99: {  	v2 =	vmul.f32 v10, v12;
	v10 =	vadd.f32 v35, v20  }
0x9a: {  	v1 =	vadd.f32 v1, v7;
	v0 =	vadd.f32 v0, v6;
	v4 =	vmul.f32 v17, v8  }
0x9b: {  	[tilespmem:s28+$0xFFFFFFE0] =	vst v3;
	v12 =	vmul.f32 v16, v15;
	v2 =	vadd.f32 v33, v2;
	v3 =	vmul.f32 v10, v9  }
0x9c: {  	[tilespmem:s23+$0xFFFFFFF0] =	vst v1;
	v7 =	vmul.f32 v14, v13;
	v4 =	vadd.f32 v30, v4  }
0x9d: {  	s1 =	sadd.s32 $0x40, s28;
	s22 =	sshll.u32 s8, $0xF;
	[tilespmem:s23+$0x0] =	vst v0;
	v1 =	vmul.f32 v28, v11;
	v2 =	vadd.f32 v2, v12;
	v3 =	vadd.f32 v29, v3  }
0x9e: {  	s22 =	sadd.s32 s0, s22;
	[tilespmem:s1+$0x10] =	vst v5;
	v0 =	vadd.f32 v4, v7  }
0x9f: {  	s24 =	sor.u32 s14, s22;
	[tilespmem:s1+$0xFFFFFFE0] =	vst v2;
	v1 =	vadd.f32 v3, v1  }
0xa0: {  	s26 =	simm.s32 $0x1C000;
	s23 =	sshrl.u32 s24, $0x3;
	[tilespmem:s1+$0xFFFFFFF0] =	vst v0  }
0xa1: {  	s11 =	sor.u32 $0x1, s11;
	s25 =	sadd.s32 s3, s23;
	s23 =	sor.u32 s5, s22;
	[tilespmem:s1+$0x0] =	vst v1  }
0xa2: {  	[hbm4b:s25+s15] =	stream.strided.scatter [tilespmem:s26], [sflag:$0x3], $0x800, s16, s15, $0x38;
	[tilespmem:$0x1E000] =	vst v63  }
0xa3: {  	s1 =	sshrl.u32 s23, $0x3;
	s25 =	sadd.s32 s6, s11  }
0xa4: {  	s24 =	simm.s32 $0x1D000;
	s1 =	sadd.s32 s3, s1;
	p0 =	seq.s32 s25, $0x1  }
0xa5: {  	[hbm4b:s1+s15] =	stream.strided.scatter [tilespmem:s24], [sflag:$0x3], $0x800, s16, s15, $0x38;
	[tilespmem:$0x1E000] =	vst v63  }
0xa6: {  	s1 =	simm.s32 @!p0 $0x4  }
0xa7: {  	_ =	swait.ge @!p0 [sflag:s1], $0x800  }
0xa8: {  	[sflag:s1] =	ssyncset.done @!p0 $0x0  }
0xa9: {  	[sflag:s1] =	ssyncadd.s32 @!p0 $0xFFFFF800  }
0xaa: {  	_ =	swait.ge @!p0 [sflag:s1], $0x800  }
0xab: {  	[sflag:s1] =	ssyncset.done @!p0 $0x0  }
0xac: {  	[sflag:s1] =	ssyncadd.s32 @!p0 $0xFFFFF800  }
0xad: {  	v0 =	vld [tilespmem:s7+$0x0];
	_ =	sdelay $0x3  }
0xae: {  	v1 =	vld [tilespmem:s7+$0xFFFFFFD0]  }
0xaf: {  	v2 =	vld [tilespmem:s7+$0xFFFFFFE0];
	v4 =	vshrl.u32 v0, $0xE  }
0xb0: {  	v3 =	vld [tilespmem:s7+$0xFFFFFFF0]  }
0xb1: {  	v5 =	vld [tilespmem:s4+$0x0]  }
0xb2: {  	v10 =	vld [tilespmem:s30+$0x0]  }
0xb3: {  	v11 =	vld [tilespmem:s4+$0xFFFFFFD0];
	v6 =	vand.u32 $0x3FFF, v0  }
0xb4: {  	v7 =	vshrl.u32 v1, $0xE;
	v8 =	vld.idx.msk [tilespmem:v4+s17+$0x0], $0xffff  }
0xb5: {  	v12 =	vld [tilespmem:s4+$0xFFFFFFE0];
	v9 =	vshrl.u32 v2, $0xE  }
0xb6: {  	v18 =	vld [tilespmem:s30+$0xFFFFFFD0]  }
0xb7: {  	v19 =	vld [tilespmem:s30+$0xFFFFFFE0]  }
0xb8: {  	v14 =	vand.u32 $0xFFFF0000, v5;
	v29 =	vand.u32 $0x3FFF, v1;
	v13 =	vld.idx.msk [tilespmem:v6+s17+$0x0], $0xffff  }
0xb9: {  	v1 =	vand.u32 $0x3FFF, v2;
	v15 =	vld.idx.msk [tilespmem:v7+s17+$0x0], $0xffff;
	v0 =	vmul.f32 v14, v8  }
0xba: {  	v17 =	vand.u32 $0xFFFF0000, v10;
	v16 =	vld.idx.msk [tilespmem:v9+s17+$0x0], $0xffff  }
0xbb: {  	s23 =	sadd.s32 $0x40, s7;
	v28 =	vld [tilespmem:s30+$0xFFFFFFF0];
	v30 =	vshrl.u32 v3, $0xE;
	v2 =	vadd.f32 v17, v0  }
0xbc: {  	v31 =	vld [tilespmem:s23+$0xFFFFFFF0];
	v20 =	vand.u32 $0xFFFF0000, v11;
	v21 =	vand.u32 $0xFFFF0000, v12  }
0xbd: {  	v22 =	vshll.u32 v10, $0x10;
	v0 =	vand.u32 $0x3FFF, v3;
	v3 =	vld.idx.msk [tilespmem:v29+s17+$0x0], $0xffff;
	v2 =	vmul.f32 v2, v13  }
0xbe: {  	v23 =	vshll.u32 v5, $0x10;
	v26 =	vand.u32 $0xFFFF0000, v18;
	v10 =	vld.idx.msk [tilespmem:v1+s17+$0x0], $0xffff;
	v5 =	vmul.f32 v20, v15  }
0xbf: {  	v62 =	vld [tilespmem:s23+$0xFFFFFFD0];
	v8 =	vmul.f32 v23, v8;
	v24 =	vmul.f32 v21, v16;
	v2 =	vadd.f32 v22, v2  }
0xc0: {  	v27 =	vand.u32 $0xFFFF0000, v19;
	v25 =	vld.idx.msk [tilespmem:v30+s17+$0x0], $0xffff;
	v5 =	vadd.f32 v26, v5  }
0xc1: {  	v13 =	vld [tilespmem:s4+$0xFFFFFFF0];
	v2 =	vadd.f32 v2, v8;
	v8 =	vadd.f32 v27, v24  }
0xc2: {  	s26 =	simm.s32 $0x1C820;
	s1 =	sadd.s32 $0x40, s4;
	v5 =	vmul.f32 v5, v3;
	v24 =	vshll.u32 v11, $0x10;
	v11 =	vld [tilespmem:s23+$0x0]  }
0xc3: {  	v63 =	vld [tilespmem:s1+$0x0];
	v60 =	vshll.u32 v12, $0x10;
	v3 =	vshll.u32 v18, $0x10;
	[tilespmem:s26+$0x10] =	vst v2;
	v8 =	vmul.f32 v8, v10  }
0xc4: {  	s22 =	sadd.s32 $0x40, s30;
	v10 =	vmul.f32 v24, v15;
	v2 =	vshll.u32 v19, $0x10;
	v18 =	vld.idx.msk [tilespmem:v4+s18+$0x0], $0xffff;
	v4 =	vadd.f32 v3, v5  }
0xc5: {  	v59 =	vld [tilespmem:s22+$0xFFFFFFD0];
	v5 =	vmul.f32 v60, v16;
	v8 =	vadd.f32 v2, v8  }
0xc6: {  	v12 =	vld.idx.msk [tilespmem:v0+s17+$0x0], $0xffff;
	v4 =	vadd.f32 v4, v10;
	v10 =	vand.u32 $0xFFFF0000, v13  }
0xc7: {  	v61 =	vld.idx.msk [tilespmem:v6+s18+$0x0], $0xffff;
	v34 =	vshrl.u32 v11, $0xE;
	v6 =	vadd.f32 v8, v5;
	v8 =	vmul.f32 v10, v25  }
0xc8: {  	v53 =	vld [tilespmem:s22+$0x0];
	v5 =	vand.u32 $0xFFFF0000, v28  }
0xc9: {  	v16 =	vld [tilespmem:s23+$0xFFFFFFE0];
	[tilespmem:s26+$0xFFFFFFE0] =	vst v4;
	v4 =	vadd.f32 v5, v8;
	v8 =	vmul.f32 v14, v18  }
0xca: {  	v7 =	vld.idx.msk [tilespmem:v7+s18+$0x0], $0xffff;
	[tilespmem:s26+$0xFFFFFFF0] =	vst v6  }
0xcb: {  	v33 =	vshll.u32 v59, $0x10;
	v19 =	vand.u32 $0x3FFF, v11;
	v14 =	vld.idx.msk [tilespmem:v9+s18+$0x0], $0xffff;
	v8 =	vadd.f32 v17, v8  }
0xcc: {  	v15 =	vshrl.u32 v62, $0xE;
	v11 =	vshrl.u32 v31, $0xE;
	v9 =	vmul.f32 v4, v12;
	v52 =	vld.idx.msk [tilespmem:v34+s17+$0x0], $0xffff  }
0xcd: {  	v54 =	vld [tilespmem:s1+$0xFFFFFFE0];
	v6 =	vshll.u32 v13, $0x10;
	v4 =	vshll.u32 v28, $0x10;
	v17 =	vmul.f32 v8, v61  }
0xce: {  	v48 =	vld [tilespmem:s22+$0xFFFFFFF0];
	v13 =	vshrl.u32 v16, $0xE;
	v12 =	vmul.f32 v6, v25;
	v9 =	vadd.f32 v4, v9  }
0xcf: {  	v28 =	vld [tilespmem:s1+$0xFFFFFFD0];
	v8 =	vand.u32 $0x3FFF, v16;
	v16 =	vadd.f32 v22, v17;
	v17 =	vmul.f32 v23, v18  }
0xd0: {  	v25 =	vand.u32 $0xFFFF0000, v63;
	v55 =	vadd.f32 v9, v12;
	v22 =	vld.idx.msk [tilespmem:v19+s17+$0x0], $0xffff;
	v9 =	vand.u32 $0x3FFF, v31  }
0xd1: {  	v57 =	vld.idx.msk [tilespmem:v15+s17+$0x0], $0xffff;
	v18 =	vmul.f32 v20, v7;
	v56 =	vadd.f32 v16, v17;
	v16 =	vmul.f32 v25, v52  }
0xd2: {  	v43 =	vld.idx.msk [tilespmem:v29+s18+$0x0], $0xffff;
	v12 =	vand.u32 $0x3FFF, v62;
	v17 =	vmul.f32 v24, v7;
	v24 =	vand.u32 $0xFFFF0000, v53  }
0xd3: {  	v58 =	vld.idx.msk [tilespmem:v13+s17+$0x0], $0xffff;
	v20 =	vmul.f32 v21, v14;
	v31 =	vadd.f32 v26, v18;
	v26 =	vadd.f32 v24, v16  }
0xd4: {  	v35 =	vand.u32 $0xFFFF0000, v48;
	v29 =	vshll.u32 v48, $0x10;
	v23 =	vld [tilespmem:s1+$0xFFFFFFF0];
	v7 =	vmul.f32 v60, v14  }
0xd5: {  	v36 =	vld.idx.msk [tilespmem:v11+s17+$0x0], $0xffff;
	v18 =	vand.u32 $0xFFFF0000, v28;
	v21 =	vadd.f32 v27, v20;
	v22 =	vmul.f32 v26, v22  }
0xd6: {  	v14 =	vshll.u32 v54, $0x10;
	v60 =	vld [tilespmem:s22+$0xFFFFFFE0];
	v27 =	vshll.u32 v63, $0x10;
	v26 =	vshll.u32 v53, $0x10  }
0xd7: {  	v20 =	vand.u32 $0xFFFF0000, v54;
	v62 =	vmul.f32 v27, v52;
	v22 =	vadd.f32 v26, v22  }
0xd8: {  	v61 =	vmul.f32 v18, v57;
	v16 =	vshll.u32 v28, $0x10;
	v63 =	vmul.f32 v20, v58;
	v40 =	vld.idx.msk [tilespmem:v12+s17+$0x0], $0xffff  }
0xd9: {  	v41 =	vld.idx.msk [tilespmem:v8+s17+$0x0], $0xffff;
	v44 =	vmul.f32 v14, v58;
	v32 =	vand.u32 $0xFFFF0000, v23;
	v50 =	vadd.f32 v22, v62  }
0xda: {  	s24 =	simm.s32 $0x1C860;
	[tilespmem:s26+$0x0] =	vst v55;
	v28 =	vshll.u32 v23, $0x10;
	v23 =	vand.u32 $0xFFFF0000, v59;
	v42 =	vld.idx.msk [tilespmem:v9+s17+$0x0], $0xffff;
	v49 =	vmul.f32 v32, v36  }
0xdb: {  	s28 =	simm.s32 $0x1D820;
	v39 =	vld.idx.msk [tilespmem:v30+s18+$0x0], $0xffff;
	v38 =	vmul.f32 v16, v57;
	v45 =	vadd.f32 v23, v61;
	v22 =	vand.u32 $0xFFFF0000, v60;
	[tilespmem:s24+$0x10] =	vst v50  }
0xdc: {  	s25 =	simm.s32 $0x4;
	s26 =	sadd.s32 $0x40, s23;
	s23 =	simm.s32 $0x1D820;
	[tilespmem:s28+$0x10] =	vst v56;
	v30 =	vshll.u32 v60, $0x10;
	v47 =	vadd.f32 v35, v49;
	v46 =	vadd.f32 v22, v63;
	v37 =	vld.idx.msk [tilespmem:v34+s18+$0x0], $0xffff  }
.LBB2_6:
0xdd: {  	v48 =	vld [tilespmem:s26+$0x0];
	s25 =	sadd.s32 $0x4, s25;
	v34 =	vmul.f32 v45, v40;
	v36 =	vmul.f32 v28, v36  }
0xde: {  	v41 =	vmul.f32 v46, v41;
	v40 =	vld [tilespmem:s26+$0xFFFFFFE0];
	p0 =	slt.u32 s25, $0x7C  }
0xdf: {  	v42 =	vmul.f32 v47, v42;
	v45 =	vld [tilespmem:s26+$0xFFFFFFF0];
	v34 =	vadd.f32 v33, v34  }
0xe0: {  	v41 =	vadd.f32 v30, v41;
	v46 =	vld.idx.msk [tilespmem:v19+s18+$0x0], $0xffff;
	v19 =	vmul.f32 v10, v39;
	v39 =	vmul.f32 v6, v39  }
0xe1: {  	v31 =	vmul.f32 v31, v43;
	v6 =	vmovc v28;
	v47 =	vld [tilespmem:s26+$0xFFFFFFD0];
	v49 =	vadd.f32 v34, v38;
	v38 =	vadd.f32 v29, v42  }
0xe2: {  	v28 =	vadd.f32 v41, v44;
	v25 =	vmul.f32 v25, v37;
	v34 =	vshrl.u32 v48, $0xE;
	v41 =	vld.idx.msk [tilespmem:v1+s18+$0x0], $0xffff;
	v1 =	vmovc v8  }
0xe3: {  	v42 =	vshrl.u32 v40, $0xE;
	v8 =	vand.u32 $0x3FFF, v40;
	[tilespmem:s24+$0xFFFFFFE0] =	vst v49;
	v36 =	vadd.f32 v38, v36;
	v38 =	vld.idx.msk [tilespmem:v0+s18+$0x0], $0xffff;
	v0 =	vmovc v9  }
0xe4: {  	v10 =	vmovc v32;
	v24 =	vadd.f32 v24, v25;
	v43 =	vshrl.u32 v45, $0xE;
	v9 =	vand.u32 $0x3FFF, v45;
	v40 =	vld.idx.msk [tilespmem:v15+s18+$0x0], $0xffff;
	[tilespmem:s24+$0xFFFFFFF0] =	vst v28  }
0xe5: {  	s1 =	sadd.s32 $0x40, s1;
	v25 =	vadd.f32 v3, v31;
	v31 =	vadd.f32 v5, v19;
	v28 =	vld.idx.msk [tilespmem:v13+s18+$0x0], $0xffff;
	[tilespmem:s24+$0x0] =	vst v36;
	v13 =	vmov v42  }
0xe6: {  	v19 =	vand.u32 $0x3FFF, v48;
	v3 =	vmovc v33;
	v5 =	vmovc v35;
	v24 =	vmul.f32 v24, v46;
	v15 =	vshrl.u32 v47, $0xE;
	v42 =	vld [tilespmem:s1+$0x0]  }
0xe7: {  	v17 =	vadd.f32 v25, v17;
	v44 =	vand.u32 $0x3FFF, v47;
	v33 =	vld.idx.msk [tilespmem:v34+s17+$0x0], $0xffff  }
0xe8: {  	s22 =	sadd.s32 $0x40, s22;
	v25 =	vmul.f32 v27, v37;
	v24 =	vadd.f32 v26, v24;
	v21 =	vmul.f32 v21, v41;
	v32 =	vld [tilespmem:s1+$0xFFFFFFD0]  }
0xe9: {  	v27 =	vmul.f32 v31, v38;
	v26 =	vld [tilespmem:s22+$0x0];
	[tilespmem:s28+$0xFFFFFFE0] =	vst v17  }
0xea: {  	v18 =	vmul.f32 v18, v40;
	v24 =	vadd.f32 v24, v25;
	v36 =	vadd.f32 v2, v21;
	v2 =	vmovc v30;
	v35 =	vld [tilespmem:s1+$0xFFFFFFE0]  }
0xeb: {  	v17 =	vmul.f32 v16, v40;
	s28 =	sadd.s32 $0x40, s28;
	v20 =	vmul.f32 v20, v28;
	v27 =	vadd.f32 v4, v27;
	v30 =	vld.idx.msk [tilespmem:v19+s17+$0x0], $0xffff  }
0xec: {  	v14 =	vmul.f32 v14, v28;
	v4 =	vmovc v29;
	v25 =	vand.u32 $0xFFFF0000, v42;
	v31 =	vadd.f32 v23, v18;
	v37 =	vld [tilespmem:s1+$0xFFFFFFF0];
	[tilespmem:s28+$0x10] =	vst v24  }
0xed: {  	v28 =	vmul.f32 v25, v33;
	v16 =	vshll.u32 v32, $0x10;
	v18 =	vand.u32 $0xFFFF0000, v32;
	v23 =	vld.idx.msk [tilespmem:v15+s17+$0x0], $0xffff  }
0xee: {  	v21 =	vadd.f32 v22, v20;
	v22 =	vadd.f32 v36, v7;
	v7 =	vmovc v14;
	v29 =	vld.idx.msk [tilespmem:v13+s17+$0x0], $0xffff;
	v24 =	vand.u32 $0xFFFF0000, v26  }
0xef: {  	v14 =	vshll.u32 v35, $0x10;
	v20 =	vand.u32 $0xFFFF0000, v35;
	v36 =	vld.idx.msk [tilespmem:v43+s17+$0x0], $0xffff;
	v35 =	vadd.f32 v24, v28  }
0xf0: {  	v45 =	vld [tilespmem:s22+$0xFFFFFFD0];
	[tilespmem:s23+$0xFFFFFFF0] =	vst v22;
	v22 =	vadd.f32 v27, v39  }
0xf1: {  	v46 =	vld [tilespmem:s22+$0xFFFFFFE0];
	v28 =	vshll.u32 v37, $0x10;
	v32 =	vand.u32 $0xFFFF0000, v37;
	v30 =	vmul.f32 v35, v30  }
0xf2: {  	v26 =	vshll.u32 v26, $0x10;
	v27 =	vshll.u32 v42, $0x10;
	v37 =	vld [tilespmem:s22+$0xFFFFFFF0];
	[tilespmem:s23+$0x0] =	vst v22;
	s23 =	smov.u32 s28  }
0xf3: {  	v33 =	vmul.f32 v27, v33;
	v22 =	vmul.f32 v18, v23;
	v40 =	vld.idx.msk [tilespmem:v44+s17+$0x0], $0xffff;
	v30 =	vadd.f32 v26, v30  }
.Ltmp1:
0xf4: {  	v38 =	vmul.f32 v16, v23;
	v35 =	vmul.f32 v20, v29;
	v41 =	vld.idx.msk [tilespmem:v8+s17+$0x0], $0xffff;
	(pc) =	sbr.rel @p0 .LBB2_6-.Ltmp1, $4  }
0xf5: {  	v47 =	vmul.f32 v32, v36;
	v23 =	vand.u32 $0xFFFF0000, v45;
	v42 =	vld.idx.msk [tilespmem:v9+s17+$0x0], $0xffff;
	v48 =	vadd.f32 v30, v33  }
0xf6: {  	s24 =	sadd.s32 $0x40, s24;
	v33 =	vshll.u32 v45, $0x10;
	v45 =	vadd.f32 v23, v22;
	v22 =	vand.u32 $0xFFFF0000, v46;
	v39 =	vld.idx.msk [tilespmem:v11+s18+$0x0], $0xffff;
	v11 =	vmovc v43  }
0xf7: {  	v30 =	vshll.u32 v46, $0x10;
	v46 =	vadd.f32 v22, v35;
	v35 =	vand.u32 $0xFFFF0000, v37;
	[tilespmem:s24+$0x10] =	vst v48;
	v43 =	vld.idx.msk [tilespmem:v12+s18+$0x0], $0xffff;
	v12 =	vmovc v44  }
0xf8: {  	s26 =	sadd.s32 $0x40, s26;
	v44 =	vmul.f32 v14, v29;
	v29 =	vshll.u32 v37, $0x10;
	v47 =	vadd.f32 v35, v47;
	v37 =	vld.idx.msk [tilespmem:v34+s18+$0x0], $0xffff  }
0xf9: {  	v34 =	vmul.f32 v45, v40  }
0xfa: {  	v45 =	vmul.f32 v46, v41  }
0xfb: {  	v46 =	vmul.f32 v47, v42;
	v34 =	vadd.f32 v33, v34  }
0xfc: {  	v40 =	vadd.f32 v30, v45  }
0xfd: {  	v36 =	vmul.f32 v28, v36;
	v47 =	vadd.f32 v29, v46;
	v34 =	vadd.f32 v34, v38  }
0xfe: {  	v1 =	vld.idx.msk [tilespmem:v1+s18+$0x0], $0xffff;
	v40 =	vadd.f32 v40, v44  }
0xff: {  	v0 =	vld.idx.msk [tilespmem:v0+s18+$0x0], $0xffff;
	v48 =	vadd.f32 v47, v36;
	[tilespmem:s24+$0xFFFFFFE0] =	vst v34  }
0x100: {  	[tilespmem:s24+$0xFFFFFFF0] =	vst v40;
	v15 =	vld.idx.msk [tilespmem:v15+s18+$0x0], $0xffff  }
0x101: {  	v13 =	vld.idx.msk [tilespmem:v13+s18+$0x0], $0xffff;
	[tilespmem:s24+$0x0] =	vst v48  }
0x102: {  	v10 =	vmul.f32 v10, v39;
	v31 =	vmul.f32 v31, v43;
	v11 =	vld.idx.msk [tilespmem:v11+s18+$0x0], $0xffff  }
0x103: {  	v19 =	vld.idx.msk [tilespmem:v19+s18+$0x0], $0xffff;
	v6 =	vmul.f32 v6, v39;
	v25 =	vmul.f32 v25, v37  }
0x104: {  	v5 =	vadd.f32 v5, v10;
	v51 =	vmul.f32 v27, v37;
	v3 =	vadd.f32 v3, v31;
	v12 =	vld.idx.msk [tilespmem:v12+s18+$0x0], $0xffff  }
0x105: {  	v1 =	vmul.f32 v21, v1;
	v24 =	vadd.f32 v24, v25;
	v8 =	vld.idx.msk [tilespmem:v8+s18+$0x0], $0xffff;
	v49 =	vmul.f32 v18, v15  }
0x106: {  	v0 =	vmul.f32 v5, v0;
	v3 =	vadd.f32 v3, v17;
	v9 =	vld.idx.msk [tilespmem:v9+s18+$0x0], $0xffff;
	v52 =	vmul.f32 v20, v13  }
0x107: {  	v1 =	vadd.f32 v2, v1;
	v53 =	vmul.f32 v32, v11;
	v10 =	vadd.f32 v23, v49  }
0x108: {  	v19 =	vmul.f32 v24, v19;
	v0 =	vadd.f32 v4, v0;
	v55 =	vadd.f32 v22, v52  }
0x109: {  	v1 =	vadd.f32 v1, v7;
	v57 =	vadd.f32 v35, v53;
	v56 =	vmul.f32 v10, v12  }
0x10a: {  	v50 =	vadd.f32 v26, v19;
	v0 =	vadd.f32 v0, v6;
	v59 =	vmul.f32 v55, v8  }
0x10b: {  	[tilespmem:s28+$0xFFFFFFE0] =	vst v3;
	v58 =	vmul.f32 v16, v15;
	v60 =	vmul.f32 v57, v9;
	v2 =	vadd.f32 v33, v56  }
0x10c: {  	s1 =	sadd.s32 $0x40, s28;
	s11 =	sshll.u32 s11, $0xE;
	[tilespmem:s23+$0xFFFFFFF0] =	vst v1;
	v54 =	vadd.f32 v50, v51;
	v61 =	vmul.f32 v14, v13;
	v4 =	vadd.f32 v30, v59  }
0x10d: {  	s26 =	simm.s32 $0x1D800;
	s8 =	sadd.s32 $0x1, s8;
	s10 =	sadd.s32 $0x1000, s10;
	[tilespmem:s23+$0x0] =	vst v0;
	v62 =	vmul.f32 v28, v11;
	v3 =	vadd.f32 v29, v60;
	v2 =	vadd.f32 v2, v58  }
0x10e: {  	s12 =	sadd.s32 $0x1000, s12;
	s9 =	sadd.s32 $0x1000, s9;
	s11 =	sadd.s32 s0, s11;
	[tilespmem:s1+$0x10] =	vst v54;
	v63 =	vadd.f32 v4, v61  }
0x10f: {  	s4 =	sadd.s32 $0x1000, s4;
	p0 =	sne.s32 s8, $0x4;
	s22 =	sor.u32 s14, s11;
	v1 =	vadd.f32 v3, v62;
	[tilespmem:s1+$0xFFFFFFE0] =	vst v2  }
.Ltmp2:
0x110: {  	s25 =	sor.u32 s5, s11;
	s22 =	sshrl.u32 s22, $0x3;
	[tilespmem:s1+$0xFFFFFFF0] =	vst v63;
	(pc) =	sbr.rel @p0 .LBB2_3-.Ltmp2, $4  }
0x111: {  	s24 =	sadd.s32 s3, s22;
	s28 =	simm.s32 $0x1C800;
	[tilespmem:s1+$0x0] =	vst v1;
	s1 =	sshrl.u32 s25, $0x3  }
0x112: {  	[hbm4b:s24+s15] =	stream.strided.scatter [tilespmem:s28], [sflag:$0x4], $0x800, s16, s15, $0x38;
	[tilespmem:$0x1E000] =	vst v63  }
0x113: {  	s30 =	sadd.s32 $0x1000, s30;
	s7 =	sadd.s32 $0x1000, s7;
	s1 =	sadd.s32 s3, s1  }
0x114: {  	[hbm4b:s1+s15] =	stream.strided.scatter [tilespmem:s26], [sflag:$0x4], $0x800, s16, s15, $0x38;
	[tilespmem:$0x1E000] =	vst v63  }
0x115: {  	p0 =	seq.s32 s31, $0x7  }
0x116: {  	s1 =	sshll.u32 @!p0 s31, $0x1  }
0x117: {  	s1 =	sadd.s32 @!p0 $0x2, s1  }
0x118: {  	s5 =	rddreg [dreg:$0x6];
	s4 =	sshll.u32 @!p0 s1, $0xC;
	s1 =	sshll.u32 @!p0 s1, $0x5  }
0x119: {  	s26 =	rddreg [dreg:$0x0];
	s4 =	sadd.s32 @!p0 s5, s4;
	s1 =	sand.u32 @!p0 $0x40, s1  }
0x11a: {  	s6 =	simm.s32 @!p0 $0xC000;
	s4 =	sand.u32 @!p0 $0x3FC000, s4;
	s1 =	sadd.s32 @!p0 s26, s1  }
0x11b: {  	s5 =	simm.s32 @!p0 $0x400;
	s1 =	sadd.s32 @!p0 s4, s1;
	s4 =	simm.s32 @!p0 $0x80  }
0x11c: {  	[tilespmem:s6], [sflag:$0x1] =	stream.strided.gather @!p0 [hbm4b:s1+s4], $0x4000, s5, s4, $0x38;
	[tilespmem:$0x1E000] =	vst v63  }
0x11d: {  	s30 =	simm.s32 $0x2;
	s1 =	sadd.s32 @!p0 $0x10, s1;
	s6 =	simm.s32 @!p0 $0x10000  }
0x11e: {  	[tilespmem:s6], [sflag:$0x1] =	stream.strided.gather @!p0 [hbm4b:s1+s4], $0x4000, s5, s4, $0x38;
	[tilespmem:$0x1E000] =	vst v63  }
0x11f: {  	_ =	swait.ge [sflag:s30], $0x4000  }
0x120: {  	[sflag:s30] =	ssyncset.done $0x0  }
0x121: {  	s7 =	simm.s32 $0x20;
	[sflag:s30] =	ssyncadd.s32 $0xFFFFC000  }
0x122: {  	s8 =	simm.s32 $0x8830;
	s9 =	simm.s32 $0x4830;
	_ =	swait.ge [sflag:s30], $0x4000  }
0x123: {  	s10 =	simm.s32 $0x830;
	s4 =	simm.s32 $0x0;
	[sflag:s30] =	ssyncset.done $0x0  }
0x124: {  	s5 =	simm.s32 $0x8020;
	s6 =	simm.s32 $0x4020;
	[sflag:s30] =	ssyncadd.s32 $0xFFFFC000  }
.LBB2_9:
0x125: {  	_ =	swait.ge [sflag:s19], $0x800  }
0x126: {  	[sflag:s19] =	ssyncset.done $0x0  }
0x127: {  	[sflag:s19] =	ssyncadd.s32 $0xFFFFF800  }
0x128: {  	_ =	swait.ge [sflag:s19], $0x800  }
0x129: {  	[sflag:s19] =	ssyncset.done $0x0  }
0x12a: {  	[sflag:s19] =	ssyncadd.s32 $0xFFFFF800  }
0x12b: {  	v0 =	vld [tilespmem:s7+$0x10];
	_ =	sdelay $0x3  }
0x12c: {  	v1 =	vld [tilespmem:s7+$0xFFFFFFE0]  }
0x12d: {  	v2 =	vld [tilespmem:s7+$0xFFFFFFF0];
	v4 =	vshrl.u32 v0, $0xE  }
0x12e: {  	v3 =	vld [tilespmem:s7+$0x0]  }
0x12f: {  	v5 =	vld [tilespmem:s5+$0x10]  }
0x130: {  	v10 =	vld [tilespmem:s6+$0x10]  }
0x131: {  	v11 =	vld [tilespmem:s5+$0xFFFFFFE0];
	v6 =	vand.u32 $0x3FFF, v0  }
0x132: {  	v7 =	vshrl.u32 v1, $0xE;
	v8 =	vld.idx.msk [tilespmem:v4+s20+$0x0], $0xffff  }
0x133: {  	v12 =	vld [tilespmem:s5+$0xFFFFFFF0];
	v9 =	vshrl.u32 v2, $0xE  }
0x134: {  	v18 =	vld [tilespmem:s6+$0xFFFFFFE0]  }
0x135: {  	v19 =	vld [tilespmem:s6+$0xFFFFFFF0]  }
0x136: {  	v14 =	vand.u32 $0xFFFF0000, v5;
	v29 =	vand.u32 $0x3FFF, v1;
	v13 =	vld.idx.msk [tilespmem:v6+s20+$0x0], $0xffff  }
0x137: {  	v1 =	vand.u32 $0x3FFF, v2;
	v15 =	vld.idx.msk [tilespmem:v7+s20+$0x0], $0xffff;
	v0 =	vmul.f32 v14, v8  }
0x138: {  	v17 =	vand.u32 $0xFFFF0000, v10;
	v16 =	vld.idx.msk [tilespmem:v9+s20+$0x0], $0xffff  }
0x139: {  	s14 =	sadd.s32 $0x40, s7;
	v28 =	vld [tilespmem:s6+$0x0];
	v30 =	vshrl.u32 v3, $0xE;
	v2 =	vadd.f32 v17, v0  }
0x13a: {  	v31 =	vld [tilespmem:s14+$0x0];
	v20 =	vand.u32 $0xFFFF0000, v11;
	v21 =	vand.u32 $0xFFFF0000, v12  }
0x13b: {  	v22 =	vshll.u32 v10, $0x10;
	v0 =	vand.u32 $0x3FFF, v3;
	v3 =	vld.idx.msk [tilespmem:v29+s20+$0x0], $0xffff;
	v2 =	vmul.f32 v2, v13  }
0x13c: {  	v23 =	vshll.u32 v5, $0x10;
	v26 =	vand.u32 $0xFFFF0000, v18;
	v10 =	vld.idx.msk [tilespmem:v1+s20+$0x0], $0xffff;
	v5 =	vmul.f32 v20, v15  }
0x13d: {  	v35 =	vld [tilespmem:s14+$0xFFFFFFE0];
	v8 =	vmul.f32 v23, v8;
	v24 =	vmul.f32 v21, v16;
	v2 =	vadd.f32 v22, v2  }
0x13e: {  	v27 =	vand.u32 $0xFFFF0000, v19;
	v25 =	vld.idx.msk [tilespmem:v30+s20+$0x0], $0xffff;
	v5 =	vadd.f32 v26, v5  }
0x13f: {  	v13 =	vld [tilespmem:s5+$0x0];
	v2 =	vadd.f32 v2, v8;
	v8 =	vadd.f32 v27, v24  }
0x140: {  	s12 =	simm.s32 $0x1C020;
	s1 =	sadd.s32 $0x40, s5;
	v5 =	vmul.f32 v5, v3;
	v24 =	vshll.u32 v11, $0x10;
	v11 =	vld [tilespmem:s14+$0x10]  }
0x141: {  	v37 =	vld [tilespmem:s1+$0x10];
	v32 =	vshll.u32 v12, $0x10;
	v3 =	vshll.u32 v18, $0x10;
	[tilespmem:s12+$0x10] =	vst v2;
	v8 =	vmul.f32 v8, v10  }
0x142: {  	s11 =	sadd.s32 $0x40, s6;
	v10 =	vmul.f32 v24, v15;
	v2 =	vshll.u32 v19, $0x10;
	v18 =	vld.idx.msk [tilespmem:v4+s21+$0x0], $0xffff;
	v4 =	vadd.f32 v3, v5  }
0x143: {  	v59 =	vld [tilespmem:s11+$0x10];
	v5 =	vmul.f32 v32, v16;
	v8 =	vadd.f32 v2, v8  }
0x144: {  	v12 =	vld.idx.msk [tilespmem:v0+s20+$0x0], $0xffff;
	v4 =	vadd.f32 v4, v10;
	v10 =	vand.u32 $0xFFFF0000, v13  }
0x145: {  	v33 =	vld.idx.msk [tilespmem:v6+s21+$0x0], $0xffff;
	v34 =	vshrl.u32 v11, $0xE;
	v6 =	vadd.f32 v8, v5;
	v8 =	vmul.f32 v10, v25  }
0x146: {  	v16 =	vld [tilespmem:s14+$0xFFFFFFF0];
	v5 =	vand.u32 $0xFFFF0000, v28  }
0x147: {  	v43 =	vld [tilespmem:s11+$0xFFFFFFE0];
	[tilespmem:s12+$0xFFFFFFE0] =	vst v4;
	v4 =	vadd.f32 v5, v8;
	v8 =	vmul.f32 v14, v18  }
0x148: {  	v7 =	vld.idx.msk [tilespmem:v7+s21+$0x0], $0xffff;
	[tilespmem:s12+$0xFFFFFFF0] =	vst v6  }
0x149: {  	v15 =	vshrl.u32 v35, $0xE;
	v19 =	vand.u32 $0x3FFF, v11;
	v14 =	vld.idx.msk [tilespmem:v9+s21+$0x0], $0xffff;
	v8 =	vadd.f32 v17, v8  }
0x14a: {  	v11 =	vshrl.u32 v31, $0xE;
	v6 =	vshll.u32 v13, $0x10;
	v9 =	vmul.f32 v4, v12;
	v38 =	vld.idx.msk [tilespmem:v34+s20+$0x0], $0xffff  }
0x14b: {  	v39 =	vld [tilespmem:s1+$0xFFFFFFF0];
	v13 =	vshrl.u32 v16, $0xE;
	v4 =	vshll.u32 v28, $0x10;
	v17 =	vmul.f32 v8, v33  }
0x14c: {  	v48 =	vld [tilespmem:s11+$0x0];
	v12 =	vmul.f32 v6, v25;
	v25 =	vand.u32 $0xFFFF0000, v37;
	v9 =	vadd.f32 v4, v9  }
0x14d: {  	v28 =	vld [tilespmem:s1+$0xFFFFFFE0];
	v8 =	vand.u32 $0x3FFF, v16;
	v16 =	vadd.f32 v22, v17;
	v17 =	vmul.f32 v23, v18  }
0x14e: {  	v33 =	vshll.u32 v43, $0x10;
	v42 =	vadd.f32 v9, v12;
	v22 =	vld.idx.msk [tilespmem:v19+s20+$0x0], $0xffff;
	v9 =	vand.u32 $0x3FFF, v31  }
0x14f: {  	v46 =	vld [tilespmem:s11+$0xFFFFFFF0];
	v18 =	vmul.f32 v20, v7;
	v44 =	vadd.f32 v16, v17;
	v16 =	vmul.f32 v25, v38  }
0x150: {  	v60 =	vld.idx.msk [tilespmem:v15+s20+$0x0], $0xffff;
	v12 =	vand.u32 $0x3FFF, v35;
	v17 =	vmul.f32 v24, v7;
	v24 =	vand.u32 $0xFFFF0000, v59  }
0x151: {  	v47 =	vld.idx.msk [tilespmem:v13+s20+$0x0], $0xffff;
	v20 =	vmul.f32 v21, v14;
	v31 =	vadd.f32 v26, v18;
	v26 =	vadd.f32 v24, v16  }
0x152: {  	v23 =	vld [tilespmem:s1+$0x0];
	v35 =	vand.u32 $0xFFFF0000, v48;
	v7 =	vmul.f32 v32, v14;
	v18 =	vand.u32 $0xFFFF0000, v28  }
0x153: {  	v36 =	vld.idx.msk [tilespmem:v11+s20+$0x0], $0xffff;
	v21 =	vadd.f32 v27, v20;
	v14 =	vshll.u32 v39, $0x10;
	v22 =	vmul.f32 v26, v22  }
0x154: {  	v20 =	vand.u32 $0xFFFF0000, v39;
	v27 =	vshll.u32 v37, $0x10;
	[tilespmem:s12+$0x0] =	vst v42;
	v26 =	vshll.u32 v59, $0x10  }
0x155: {  	v61 =	vmul.f32 v18, v60;
	v62 =	vmul.f32 v27, v38;
	v39 =	vld.idx.msk [tilespmem:v30+s21+$0x0], $0xffff;
	v22 =	vadd.f32 v26, v22  }
0x156: {  	s12 =	simm.s32 $0x1D020;
	v30 =	vshll.u32 v46, $0x10;
	v16 =	vshll.u32 v28, $0x10;
	v63 =	vmul.f32 v20, v47;
	v40 =	vld.idx.msk [tilespmem:v12+s20+$0x0], $0xffff  }
0x157: {  	v41 =	vld.idx.msk [tilespmem:v8+s20+$0x0], $0xffff;
	[tilespmem:s12+$0x10] =	vst v44;
	v44 =	vmul.f32 v14, v47;
	v32 =	vand.u32 $0xFFFF0000, v23;
	v50 =	vadd.f32 v22, v62  }
0x158: {  	s22 =	simm.s32 $0x1C060;
	v28 =	vshll.u32 v23, $0x10;
	v23 =	vand.u32 $0xFFFF0000, v43;
	v42 =	vld.idx.msk [tilespmem:v9+s20+$0x0], $0xffff;
	v49 =	vmul.f32 v32, v36  }
0x159: {  	v38 =	vmul.f32 v16, v60;
	v43 =	vld.idx.msk [tilespmem:v29+s21+$0x0], $0xffff;
	v45 =	vadd.f32 v23, v61;
	v22 =	vand.u32 $0xFFFF0000, v46;
	[tilespmem:s22+$0x10] =	vst v50  }
0x15a: {  	s23 =	simm.s32 $0x4;
	s24 =	sadd.s32 $0x40, s14;
	s14 =	simm.s32 $0x1D020;
	v29 =	vshll.u32 v48, $0x10;
	v47 =	vadd.f32 v35, v49;
	v46 =	vadd.f32 v22, v63;
	v37 =	vld.idx.msk [tilespmem:v34+s21+$0x0], $0xffff  }
.LBB2_10:
0x15b: {  	v48 =	vld [tilespmem:s24+$0x10];
	s23 =	sadd.s32 $0x4, s23;
	v34 =	vmul.f32 v45, v40;
	v36 =	vmul.f32 v28, v36  }
0x15c: {  	v41 =	vmul.f32 v46, v41;
	v40 =	vld [tilespmem:s24+$0xFFFFFFF0];
	p0 =	slt.u32 s23, $0x7C  }
0x15d: {  	v42 =	vmul.f32 v47, v42;
	v45 =	vld [tilespmem:s24+$0x0];
	v34 =	vadd.f32 v33, v34  }
0x15e: {  	v41 =	vadd.f32 v30, v41;
	v46 =	vld.idx.msk [tilespmem:v19+s21+$0x0], $0xffff;
	v19 =	vmul.f32 v10, v39;
	v39 =	vmul.f32 v6, v39  }
0x15f: {  	v31 =	vmul.f32 v31, v43;
	v6 =	vmovc v28;
	v47 =	vld [tilespmem:s24+$0xFFFFFFE0];
	v49 =	vadd.f32 v34, v38;
	v38 =	vadd.f32 v29, v42  }
0x160: {  	v28 =	vadd.f32 v41, v44;
	v25 =	vmul.f32 v25, v37;
	v34 =	vshrl.u32 v48, $0xE;
	v41 =	vld.idx.msk [tilespmem:v1+s21+$0x0], $0xffff;
	v1 =	vmovc v8  }
0x161: {  	v42 =	vshrl.u32 v40, $0xE;
	v8 =	vand.u32 $0x3FFF, v40;
	[tilespmem:s22+$0xFFFFFFE0] =	vst v49;
	v36 =	vadd.f32 v38, v36;
	v38 =	vld.idx.msk [tilespmem:v0+s21+$0x0], $0xffff;
	v0 =	vmovc v9  }
0x162: {  	v10 =	vmovc v32;
	v24 =	vadd.f32 v24, v25;
	v43 =	vshrl.u32 v45, $0xE;
	v9 =	vand.u32 $0x3FFF, v45;
	v40 =	vld.idx.msk [tilespmem:v15+s21+$0x0], $0xffff;
	[tilespmem:s22+$0xFFFFFFF0] =	vst v28  }
0x163: {  	s1 =	sadd.s32 $0x40, s1;
	v25 =	vadd.f32 v3, v31;
	v31 =	vadd.f32 v5, v19;
	v28 =	vld.idx.msk [tilespmem:v13+s21+$0x0], $0xffff;
	[tilespmem:s22+$0x0] =	vst v36;
	v13 =	vmov v42  }
0x164: {  	v19 =	vand.u32 $0x3FFF, v48;
	v3 =	vmovc v33;
	v5 =	vmovc v35;
	v24 =	vmul.f32 v24, v46;
	v15 =	vshrl.u32 v47, $0xE;
	v42 =	vld [tilespmem:s1+$0x10]  }
0x165: {  	v17 =	vadd.f32 v25, v17;
	v44 =	vand.u32 $0x3FFF, v47;
	v33 =	vld.idx.msk [tilespmem:v34+s20+$0x0], $0xffff  }
0x166: {  	s11 =	sadd.s32 $0x40, s11;
	v25 =	vmul.f32 v27, v37;
	v24 =	vadd.f32 v26, v24;
	v21 =	vmul.f32 v21, v41;
	v32 =	vld [tilespmem:s1+$0xFFFFFFE0]  }
0x167: {  	v27 =	vmul.f32 v31, v38;
	v26 =	vld [tilespmem:s11+$0x10];
	[tilespmem:s12+$0xFFFFFFE0] =	vst v17  }
0x168: {  	v18 =	vmul.f32 v18, v40;
	v24 =	vadd.f32 v24, v25;
	v36 =	vadd.f32 v2, v21;
	v2 =	vmovc v30;
	v35 =	vld [tilespmem:s1+$0xFFFFFFF0]  }
0x169: {  	v17 =	vmul.f32 v16, v40;
	s12 =	sadd.s32 $0x40, s12;
	v20 =	vmul.f32 v20, v28;
	v27 =	vadd.f32 v4, v27;
	v30 =	vld.idx.msk [tilespmem:v19+s20+$0x0], $0xffff  }
0x16a: {  	v14 =	vmul.f32 v14, v28;
	v4 =	vmovc v29;
	v25 =	vand.u32 $0xFFFF0000, v42;
	v31 =	vadd.f32 v23, v18;
	v37 =	vld [tilespmem:s1+$0x0];
	[tilespmem:s12+$0x10] =	vst v24  }
0x16b: {  	v28 =	vmul.f32 v25, v33;
	v16 =	vshll.u32 v32, $0x10;
	v18 =	vand.u32 $0xFFFF0000, v32;
	v23 =	vld.idx.msk [tilespmem:v15+s20+$0x0], $0xffff  }
0x16c: {  	v21 =	vadd.f32 v22, v20;
	v22 =	vadd.f32 v36, v7;
	v7 =	vmovc v14;
	v29 =	vld.idx.msk [tilespmem:v13+s20+$0x0], $0xffff;
	v24 =	vand.u32 $0xFFFF0000, v26  }
0x16d: {  	v14 =	vshll.u32 v35, $0x10;
	v20 =	vand.u32 $0xFFFF0000, v35;
	v36 =	vld.idx.msk [tilespmem:v43+s20+$0x0], $0xffff;
	v35 =	vadd.f32 v24, v28  }
0x16e: {  	v45 =	vld [tilespmem:s11+$0xFFFFFFE0];
	[tilespmem:s14+$0xFFFFFFF0] =	vst v22;
	v22 =	vadd.f32 v27, v39  }
0x16f: {  	v46 =	vld [tilespmem:s11+$0xFFFFFFF0];
	v28 =	vshll.u32 v37, $0x10;
	v32 =	vand.u32 $0xFFFF0000, v37;
	v30 =	vmul.f32 v35, v30  }
0x170: {  	v26 =	vshll.u32 v26, $0x10;
	v27 =	vshll.u32 v42, $0x10;
	v37 =	vld [tilespmem:s11+$0x0];
	[tilespmem:s14+$0x0] =	vst v22;
	s14 =	smov.u32 s12  }
0x171: {  	v33 =	vmul.f32 v27, v33;
	v22 =	vmul.f32 v18, v23;
	v40 =	vld.idx.msk [tilespmem:v44+s20+$0x0], $0xffff;
	v30 =	vadd.f32 v26, v30  }
.Ltmp3:
0x172: {  	v38 =	vmul.f32 v16, v23;
	v35 =	vmul.f32 v20, v29;
	v41 =	vld.idx.msk [tilespmem:v8+s20+$0x0], $0xffff;
	(pc) =	sbr.rel @p0 .LBB2_10-.Ltmp3, $4  }
0x173: {  	v47 =	vmul.f32 v32, v36;
	v23 =	vand.u32 $0xFFFF0000, v45;
	v42 =	vld.idx.msk [tilespmem:v9+s20+$0x0], $0xffff;
	v48 =	vadd.f32 v30, v33  }
0x174: {  	s22 =	sadd.s32 $0x40, s22;
	v33 =	vshll.u32 v45, $0x10;
	v45 =	vadd.f32 v23, v22;
	v22 =	vand.u32 $0xFFFF0000, v46;
	v39 =	vld.idx.msk [tilespmem:v11+s21+$0x0], $0xffff;
	v11 =	vmovc v43  }
0x175: {  	v30 =	vshll.u32 v46, $0x10;
	v46 =	vadd.f32 v22, v35;
	v35 =	vand.u32 $0xFFFF0000, v37;
	[tilespmem:s22+$0x10] =	vst v48;
	v43 =	vld.idx.msk [tilespmem:v12+s21+$0x0], $0xffff;
	v12 =	vmovc v44  }
0x176: {  	s24 =	sadd.s32 $0x40, s24;
	v44 =	vmul.f32 v14, v29;
	v29 =	vshll.u32 v37, $0x10;
	v47 =	vadd.f32 v35, v47;
	v37 =	vld.idx.msk [tilespmem:v34+s21+$0x0], $0xffff  }
0x177: {  	v34 =	vmul.f32 v45, v40  }
0x178: {  	v56 =	vmul.f32 v46, v41  }
0x179: {  	v57 =	vmul.f32 v47, v42;
	v34 =	vadd.f32 v33, v34  }
0x17a: {  	v40 =	vadd.f32 v30, v56  }
0x17b: {  	v36 =	vmul.f32 v28, v36;
	v19 =	vld.idx.msk [tilespmem:v19+s21+$0x0], $0xffff;
	v58 =	vadd.f32 v29, v57;
	v34 =	vadd.f32 v34, v38  }
0x17c: {  	v1 =	vld.idx.msk [tilespmem:v1+s21+$0x0], $0xffff;
	v40 =	vadd.f32 v40, v44  }
0x17d: {  	v0 =	vld.idx.msk [tilespmem:v0+s21+$0x0], $0xffff;
	v59 =	vadd.f32 v58, v36;
	[tilespmem:s22+$0xFFFFFFE0] =	vst v34  }
0x17e: {  	v10 =	vmul.f32 v10, v39;
	v25 =	vmul.f32 v25, v37;
	[tilespmem:s22+$0xFFFFFFF0] =	vst v40;
	v15 =	vld.idx.msk [tilespmem:v15+s21+$0x0], $0xffff  }
0x17f: {  	v31 =	vmul.f32 v31, v43;
	v13 =	vld.idx.msk [tilespmem:v13+s21+$0x0], $0xffff;
	[tilespmem:s22+$0x0] =	vst v59  }
0x180: {  	v5 =	vadd.f32 v5, v10;
	v24 =	vadd.f32 v24, v25;
	v11 =	vld.idx.msk [tilespmem:v11+s21+$0x0], $0xffff  }
0x181: {  	v3 =	vadd.f32 v3, v31;
	v1 =	vmul.f32 v21, v1  }
0x182: {  	v0 =	vmul.f32 v5, v0;
	v12 =	vld.idx.msk [tilespmem:v12+s21+$0x0], $0xffff;
	v19 =	vmul.f32 v24, v19  }
0x183: {  	v3 =	vadd.f32 v3, v17;
	v8 =	vld.idx.msk [tilespmem:v8+s21+$0x0], $0xffff;
	v1 =	vadd.f32 v2, v1;
	v10 =	vmul.f32 v18, v15  }
0x184: {  	v9 =	vld.idx.msk [tilespmem:v9+s21+$0x0], $0xffff;
	v17 =	vadd.f32 v26, v19;
	v18 =	vmul.f32 v27, v37;
	v19 =	vmul.f32 v20, v13  }
0x185: {  	v0 =	vadd.f32 v4, v0;
	v20 =	vmul.f32 v32, v11;
	v10 =	vadd.f32 v23, v10  }
0x186: {  	v6 =	vmul.f32 v6, v39;
	v5 =	vadd.f32 v17, v18;
	v17 =	vadd.f32 v22, v19  }
0x187: {  	v2 =	vmul.f32 v10, v12;
	v10 =	vadd.f32 v35, v20  }
0x188: {  	v1 =	vadd.f32 v1, v7;
	v0 =	vadd.f32 v0, v6;
	v4 =	vmul.f32 v17, v8  }
0x189: {  	[tilespmem:s12+$0xFFFFFFE0] =	vst v3;
	v12 =	vmul.f32 v16, v15;
	v2 =	vadd.f32 v33, v2;
	v3 =	vmul.f32 v10, v9  }
0x18a: {  	[tilespmem:s14+$0xFFFFFFF0] =	vst v1;
	v7 =	vmul.f32 v14, v13;
	v4 =	vadd.f32 v30, v4  }
0x18b: {  	s1 =	sadd.s32 $0x40, s12;
	s11 =	sshll.u32 s4, $0xF;
	[tilespmem:s14+$0x0] =	vst v0;
	v1 =	vmul.f32 v28, v11;
	v2 =	vadd.f32 v2, v12;
	v3 =	vadd.f32 v29, v3  }
0x18c: {  	s11 =	sadd.s32 s0, s11;
	[tilespmem:s1+$0x10] =	vst v5;
	v0 =	vadd.f32 v4, v7  }
0x18d: {  	s30 =	sor.u32 s2, s11;
	[tilespmem:s1+$0xFFFFFFE0] =	vst v2;
	v1 =	vadd.f32 v3, v1  }
0x18e: {  	s23 =	sor.u32 s13, s11;
	s12 =	sshrl.u32 s30, $0x3;
	[tilespmem:s1+$0xFFFFFFF0] =	vst v0  }
0x18f: {  	s22 =	simm.s32 $0x1C000;
	s14 =	sadd.s32 s3, s12;
	[tilespmem:s1+$0x0] =	vst v1;
	s1 =	sshrl.u32 s23, $0x3  }
0x190: {  	[hbm4b:s14+s15] =	stream.strided.scatter [tilespmem:s22], [sflag:$0x3], $0x800, s16, s15, $0x38;
	[tilespmem:$0x1E000] =	vst v63  }
0x191: {  	s24 =	simm.s32 $0x1D000;
	s1 =	sadd.s32 s3, s1  }
0x192: {  	[hbm4b:s1+s15] =	stream.strided.scatter [tilespmem:s24], [sflag:$0x3], $0x800, s16, s15, $0x38;
	[tilespmem:$0x1E000] =	vst v63  }
0x193: {  	_ =	swait.ge [sflag:s29], $0x800  }
0x194: {  	[sflag:s29] =	ssyncset.done $0x0  }
0x195: {  	[sflag:s29] =	ssyncadd.s32 $0xFFFFF800  }
0x196: {  	_ =	swait.ge [sflag:s29], $0x800  }
0x197: {  	[sflag:s29] =	ssyncset.done $0x0  }
0x198: {  	[sflag:s29] =	ssyncadd.s32 $0xFFFFF800  }
0x199: {  	v0 =	vld [tilespmem:s10+$0x0];
	_ =	sdelay $0x3  }
0x19a: {  	v1 =	vld [tilespmem:s10+$0xFFFFFFD0]  }
0x19b: {  	v2 =	vld [tilespmem:s10+$0xFFFFFFE0];
	v4 =	vshrl.u32 v0, $0xE  }
0x19c: {  	v3 =	vld [tilespmem:s10+$0xFFFFFFF0]  }
0x19d: {  	v5 =	vld [tilespmem:s8+$0x0]  }
0x19e: {  	v10 =	vld [tilespmem:s9+$0x0]  }
0x19f: {  	v11 =	vld [tilespmem:s8+$0xFFFFFFD0];
	v6 =	vand.u32 $0x3FFF, v0  }
0x1a0: {  	v7 =	vshrl.u32 v1, $0xE;
	v8 =	vld.idx.msk [tilespmem:v4+s20+$0x0], $0xffff  }
0x1a1: {  	v12 =	vld [tilespmem:s8+$0xFFFFFFE0];
	v9 =	vshrl.u32 v2, $0xE  }
0x1a2: {  	v18 =	vld [tilespmem:s9+$0xFFFFFFD0]  }
0x1a3: {  	v19 =	vld [tilespmem:s9+$0xFFFFFFE0]  }
0x1a4: {  	v14 =	vand.u32 $0xFFFF0000, v5;
	v29 =	vand.u32 $0x3FFF, v1;
	v13 =	vld.idx.msk [tilespmem:v6+s20+$0x0], $0xffff  }
0x1a5: {  	v1 =	vand.u32 $0x3FFF, v2;
	v15 =	vld.idx.msk [tilespmem:v7+s20+$0x0], $0xffff;
	v0 =	vmul.f32 v14, v8  }
0x1a6: {  	v17 =	vand.u32 $0xFFFF0000, v10;
	v16 =	vld.idx.msk [tilespmem:v9+s20+$0x0], $0xffff  }
0x1a7: {  	s25 =	sadd.s32 $0x40, s10;
	v28 =	vld [tilespmem:s9+$0xFFFFFFF0];
	v30 =	vshrl.u32 v3, $0xE;
	v2 =	vadd.f32 v17, v0  }
0x1a8: {  	v31 =	vld [tilespmem:s25+$0xFFFFFFF0];
	v20 =	vand.u32 $0xFFFF0000, v11;
	v21 =	vand.u32 $0xFFFF0000, v12  }
0x1a9: {  	v22 =	vshll.u32 v10, $0x10;
	v0 =	vand.u32 $0x3FFF, v3;
	v3 =	vld.idx.msk [tilespmem:v29+s20+$0x0], $0xffff;
	v2 =	vmul.f32 v2, v13  }
0x1aa: {  	v23 =	vshll.u32 v5, $0x10;
	v26 =	vand.u32 $0xFFFF0000, v18;
	v10 =	vld.idx.msk [tilespmem:v1+s20+$0x0], $0xffff;
	v5 =	vmul.f32 v20, v15  }
0x1ab: {  	v62 =	vld [tilespmem:s25+$0xFFFFFFD0];
	v8 =	vmul.f32 v23, v8;
	v24 =	vmul.f32 v21, v16;
	v2 =	vadd.f32 v22, v2  }
0x1ac: {  	v27 =	vand.u32 $0xFFFF0000, v19;
	v25 =	vld.idx.msk [tilespmem:v30+s20+$0x0], $0xffff;
	v5 =	vadd.f32 v26, v5  }
0x1ad: {  	v13 =	vld [tilespmem:s8+$0xFFFFFFF0];
	v2 =	vadd.f32 v2, v8;
	v8 =	vadd.f32 v27, v24  }
0x1ae: {  	s30 =	simm.s32 $0x1C820;
	s1 =	sadd.s32 $0x40, s8;
	v5 =	vmul.f32 v5, v3;
	v24 =	vshll.u32 v11, $0x10;
	v11 =	vld [tilespmem:s25+$0x0]  }
0x1af: {  	v63 =	vld [tilespmem:s1+$0x0];
	v60 =	vshll.u32 v12, $0x10;
	v3 =	vshll.u32 v18, $0x10;
	[tilespmem:s30+$0x10] =	vst v2;
	v8 =	vmul.f32 v8, v10  }
0x1b0: {  	s12 =	sadd.s32 $0x40, s9;
	v10 =	vmul.f32 v24, v15;
	v2 =	vshll.u32 v19, $0x10;
	v18 =	vld.idx.msk [tilespmem:v4+s21+$0x0], $0xffff;
	v4 =	vadd.f32 v3, v5  }
0x1b1: {  	v59 =	vld [tilespmem:s12+$0xFFFFFFD0];
	v5 =	vmul.f32 v60, v16;
	v8 =	vadd.f32 v2, v8  }
0x1b2: {  	v12 =	vld.idx.msk [tilespmem:v0+s20+$0x0], $0xffff;
	v4 =	vadd.f32 v4, v10;
	v10 =	vand.u32 $0xFFFF0000, v13  }
0x1b3: {  	v61 =	vld.idx.msk [tilespmem:v6+s21+$0x0], $0xffff;
	v34 =	vshrl.u32 v11, $0xE;
	v6 =	vadd.f32 v8, v5;
	v8 =	vmul.f32 v10, v25  }
0x1b4: {  	v53 =	vld [tilespmem:s12+$0x0];
	v5 =	vand.u32 $0xFFFF0000, v28  }
0x1b5: {  	v16 =	vld [tilespmem:s25+$0xFFFFFFE0];
	[tilespmem:s30+$0xFFFFFFE0] =	vst v4;
	v4 =	vadd.f32 v5, v8;
	v8 =	vmul.f32 v14, v18  }
0x1b6: {  	v7 =	vld.idx.msk [tilespmem:v7+s21+$0x0], $0xffff;
	[tilespmem:s30+$0xFFFFFFF0] =	vst v6  }
0x1b7: {  	v33 =	vshll.u32 v59, $0x10;
	v19 =	vand.u32 $0x3FFF, v11;
	v14 =	vld.idx.msk [tilespmem:v9+s21+$0x0], $0xffff;
	v8 =	vadd.f32 v17, v8  }
0x1b8: {  	v15 =	vshrl.u32 v62, $0xE;
	v11 =	vshrl.u32 v31, $0xE;
	v9 =	vmul.f32 v4, v12;
	v52 =	vld.idx.msk [tilespmem:v34+s20+$0x0], $0xffff  }
0x1b9: {  	v54 =	vld [tilespmem:s1+$0xFFFFFFE0];
	v6 =	vshll.u32 v13, $0x10;
	v4 =	vshll.u32 v28, $0x10;
	v17 =	vmul.f32 v8, v61  }
0x1ba: {  	v48 =	vld [tilespmem:s12+$0xFFFFFFF0];
	v13 =	vshrl.u32 v16, $0xE;
	v12 =	vmul.f32 v6, v25;
	v9 =	vadd.f32 v4, v9  }
0x1bb: {  	v28 =	vld [tilespmem:s1+$0xFFFFFFD0];
	v8 =	vand.u32 $0x3FFF, v16;
	v16 =	vadd.f32 v22, v17;
	v17 =	vmul.f32 v23, v18  }
0x1bc: {  	v25 =	vand.u32 $0xFFFF0000, v63;
	v55 =	vadd.f32 v9, v12;
	v22 =	vld.idx.msk [tilespmem:v19+s20+$0x0], $0xffff;
	v9 =	vand.u32 $0x3FFF, v31  }
0x1bd: {  	v57 =	vld.idx.msk [tilespmem:v15+s20+$0x0], $0xffff;
	v18 =	vmul.f32 v20, v7;
	v56 =	vadd.f32 v16, v17;
	v16 =	vmul.f32 v25, v52  }
0x1be: {  	v43 =	vld.idx.msk [tilespmem:v29+s21+$0x0], $0xffff;
	v12 =	vand.u32 $0x3FFF, v62;
	v17 =	vmul.f32 v24, v7;
	v24 =	vand.u32 $0xFFFF0000, v53  }
0x1bf: {  	v58 =	vld.idx.msk [tilespmem:v13+s20+$0x0], $0xffff;
	v20 =	vmul.f32 v21, v14;
	v31 =	vadd.f32 v26, v18;
	v26 =	vadd.f32 v24, v16  }
0x1c0: {  	v35 =	vand.u32 $0xFFFF0000, v48;
	v29 =	vshll.u32 v48, $0x10;
	v23 =	vld [tilespmem:s1+$0xFFFFFFF0];
	v7 =	vmul.f32 v60, v14  }
0x1c1: {  	v36 =	vld.idx.msk [tilespmem:v11+s20+$0x0], $0xffff;
	v18 =	vand.u32 $0xFFFF0000, v28;
	v21 =	vadd.f32 v27, v20;
	v22 =	vmul.f32 v26, v22  }
0x1c2: {  	v14 =	vshll.u32 v54, $0x10;
	v60 =	vld [tilespmem:s12+$0xFFFFFFE0];
	v27 =	vshll.u32 v63, $0x10;
	v26 =	vshll.u32 v53, $0x10  }
0x1c3: {  	v20 =	vand.u32 $0xFFFF0000, v54;
	v62 =	vmul.f32 v27, v52;
	v22 =	vadd.f32 v26, v22  }
0x1c4: {  	v61 =	vmul.f32 v18, v57;
	v16 =	vshll.u32 v28, $0x10;
	v63 =	vmul.f32 v20, v58;
	v40 =	vld.idx.msk [tilespmem:v12+s20+$0x0], $0xffff  }
0x1c5: {  	v41 =	vld.idx.msk [tilespmem:v8+s20+$0x0], $0xffff;
	v44 =	vmul.f32 v14, v58;
	v32 =	vand.u32 $0xFFFF0000, v23;
	v50 =	vadd.f32 v22, v62  }
0x1c6: {  	s23 =	simm.s32 $0x1C860;
	[tilespmem:s30+$0x0] =	vst v55;
	v28 =	vshll.u32 v23, $0x10;
	v23 =	vand.u32 $0xFFFF0000, v59;
	v42 =	vld.idx.msk [tilespmem:v9+s20+$0x0], $0xffff;
	v49 =	vmul.f32 v32, v36  }
0x1c7: {  	s11 =	sshllo.u32 s4, $0x1;
	s14 =	simm.s32 $0x1D820;
	v39 =	vld.idx.msk [tilespmem:v30+s21+$0x0], $0xffff;
	v38 =	vmul.f32 v16, v57;
	v45 =	vadd.f32 v23, v61;
	v22 =	vand.u32 $0xFFFF0000, v60;
	[tilespmem:s23+$0x10] =	vst v50  }
0x1c8: {  	s22 =	simm.s32 $0x1D820;
	s24 =	simm.s32 $0x4;
	s25 =	sadd.s32 $0x40, s25;
	[tilespmem:s14+$0x10] =	vst v56;
	v30 =	vshll.u32 v60, $0x10;
	v47 =	vadd.f32 v35, v49;
	v46 =	vadd.f32 v22, v63;
	v37 =	vld.idx.msk [tilespmem:v34+s21+$0x0], $0xffff  }
.LBB2_12:
0x1c9: {  	v48 =	vld [tilespmem:s25+$0x0];
	s24 =	sadd.s32 $0x4, s24;
	v34 =	vmul.f32 v45, v40;
	v36 =	vmul.f32 v28, v36  }
0x1ca: {  	v41 =	vmul.f32 v46, v41;
	v40 =	vld [tilespmem:s25+$0xFFFFFFE0];
	p0 =	slt.u32 s24, $0x7C  }
0x1cb: {  	v42 =	vmul.f32 v47, v42;
	v45 =	vld [tilespmem:s25+$0xFFFFFFF0];
	v34 =	vadd.f32 v33, v34  }
0x1cc: {  	v41 =	vadd.f32 v30, v41;
	v46 =	vld.idx.msk [tilespmem:v19+s21+$0x0], $0xffff;
	v19 =	vmul.f32 v10, v39;
	v39 =	vmul.f32 v6, v39  }
0x1cd: {  	v31 =	vmul.f32 v31, v43;
	v6 =	vmovc v28;
	v47 =	vld [tilespmem:s25+$0xFFFFFFD0];
	v49 =	vadd.f32 v34, v38;
	v38 =	vadd.f32 v29, v42  }
0x1ce: {  	v28 =	vadd.f32 v41, v44;
	v25 =	vmul.f32 v25, v37;
	v34 =	vshrl.u32 v48, $0xE;
	v41 =	vld.idx.msk [tilespmem:v1+s21+$0x0], $0xffff;
	v1 =	vmovc v8  }
0x1cf: {  	v42 =	vshrl.u32 v40, $0xE;
	v8 =	vand.u32 $0x3FFF, v40;
	[tilespmem:s23+$0xFFFFFFE0] =	vst v49;
	v36 =	vadd.f32 v38, v36;
	v38 =	vld.idx.msk [tilespmem:v0+s21+$0x0], $0xffff;
	v0 =	vmovc v9  }
0x1d0: {  	v10 =	vmovc v32;
	v24 =	vadd.f32 v24, v25;
	v43 =	vshrl.u32 v45, $0xE;
	v9 =	vand.u32 $0x3FFF, v45;
	v40 =	vld.idx.msk [tilespmem:v15+s21+$0x0], $0xffff;
	[tilespmem:s23+$0xFFFFFFF0] =	vst v28  }
0x1d1: {  	s1 =	sadd.s32 $0x40, s1;
	v25 =	vadd.f32 v3, v31;
	v31 =	vadd.f32 v5, v19;
	v28 =	vld.idx.msk [tilespmem:v13+s21+$0x0], $0xffff;
	[tilespmem:s23+$0x0] =	vst v36;
	v13 =	vmov v42  }
0x1d2: {  	v19 =	vand.u32 $0x3FFF, v48;
	v3 =	vmovc v33;
	v5 =	vmovc v35;
	v24 =	vmul.f32 v24, v46;
	v15 =	vshrl.u32 v47, $0xE;
	v42 =	vld [tilespmem:s1+$0x0]  }
0x1d3: {  	v17 =	vadd.f32 v25, v17;
	v44 =	vand.u32 $0x3FFF, v47;
	v33 =	vld.idx.msk [tilespmem:v34+s20+$0x0], $0xffff  }
0x1d4: {  	s12 =	sadd.s32 $0x40, s12;
	v25 =	vmul.f32 v27, v37;
	v24 =	vadd.f32 v26, v24;
	v21 =	vmul.f32 v21, v41;
	v32 =	vld [tilespmem:s1+$0xFFFFFFD0]  }
0x1d5: {  	v27 =	vmul.f32 v31, v38;
	v26 =	vld [tilespmem:s12+$0x0];
	[tilespmem:s14+$0xFFFFFFE0] =	vst v17  }
0x1d6: {  	v18 =	vmul.f32 v18, v40;
	v24 =	vadd.f32 v24, v25;
	v36 =	vadd.f32 v2, v21;
	v2 =	vmovc v30;
	v35 =	vld [tilespmem:s1+$0xFFFFFFE0]  }
0x1d7: {  	v17 =	vmul.f32 v16, v40;
	s14 =	sadd.s32 $0x40, s14;
	v20 =	vmul.f32 v20, v28;
	v27 =	vadd.f32 v4, v27;
	v30 =	vld.idx.msk [tilespmem:v19+s20+$0x0], $0xffff  }
0x1d8: {  	v14 =	vmul.f32 v14, v28;
	v4 =	vmovc v29;
	v25 =	vand.u32 $0xFFFF0000, v42;
	v31 =	vadd.f32 v23, v18;
	v37 =	vld [tilespmem:s1+$0xFFFFFFF0];
	[tilespmem:s14+$0x10] =	vst v24  }
0x1d9: {  	v28 =	vmul.f32 v25, v33;
	v16 =	vshll.u32 v32, $0x10;
	v18 =	vand.u32 $0xFFFF0000, v32;
	v23 =	vld.idx.msk [tilespmem:v15+s20+$0x0], $0xffff  }
0x1da: {  	v21 =	vadd.f32 v22, v20;
	v22 =	vadd.f32 v36, v7;
	v7 =	vmovc v14;
	v29 =	vld.idx.msk [tilespmem:v13+s20+$0x0], $0xffff;
	v24 =	vand.u32 $0xFFFF0000, v26  }
0x1db: {  	v14 =	vshll.u32 v35, $0x10;
	v20 =	vand.u32 $0xFFFF0000, v35;
	v36 =	vld.idx.msk [tilespmem:v43+s20+$0x0], $0xffff;
	v35 =	vadd.f32 v24, v28  }
0x1dc: {  	v45 =	vld [tilespmem:s12+$0xFFFFFFD0];
	[tilespmem:s22+$0xFFFFFFF0] =	vst v22;
	v22 =	vadd.f32 v27, v39  }
0x1dd: {  	v46 =	vld [tilespmem:s12+$0xFFFFFFE0];
	v28 =	vshll.u32 v37, $0x10;
	v32 =	vand.u32 $0xFFFF0000, v37;
	v30 =	vmul.f32 v35, v30  }
0x1de: {  	v26 =	vshll.u32 v26, $0x10;
	v27 =	vshll.u32 v42, $0x10;
	v37 =	vld [tilespmem:s12+$0xFFFFFFF0];
	[tilespmem:s22+$0x0] =	vst v22;
	s22 =	smov.u32 s14  }
0x1df: {  	v33 =	vmul.f32 v27, v33;
	v22 =	vmul.f32 v18, v23;
	v40 =	vld.idx.msk [tilespmem:v44+s20+$0x0], $0xffff;
	v30 =	vadd.f32 v26, v30  }
.Ltmp4:
0x1e0: {  	v38 =	vmul.f32 v16, v23;
	v35 =	vmul.f32 v20, v29;
	v41 =	vld.idx.msk [tilespmem:v8+s20+$0x0], $0xffff;
	(pc) =	sbr.rel @p0 .LBB2_12-.Ltmp4, $4  }
0x1e1: {  	v47 =	vmul.f32 v32, v36;
	v23 =	vand.u32 $0xFFFF0000, v45;
	v42 =	vld.idx.msk [tilespmem:v9+s20+$0x0], $0xffff;
	v48 =	vadd.f32 v30, v33  }
0x1e2: {  	s23 =	sadd.s32 $0x40, s23;
	v33 =	vshll.u32 v45, $0x10;
	v45 =	vadd.f32 v23, v22;
	v22 =	vand.u32 $0xFFFF0000, v46;
	v39 =	vld.idx.msk [tilespmem:v11+s21+$0x0], $0xffff;
	v11 =	vmovc v43  }
0x1e3: {  	v30 =	vshll.u32 v46, $0x10;
	v46 =	vadd.f32 v22, v35;
	v35 =	vand.u32 $0xFFFF0000, v37;
	[tilespmem:s23+$0x10] =	vst v48;
	v43 =	vld.idx.msk [tilespmem:v12+s21+$0x0], $0xffff;
	v12 =	vmovc v44  }
0x1e4: {  	s25 =	sadd.s32 $0x40, s25;
	v44 =	vmul.f32 v14, v29;
	v29 =	vshll.u32 v37, $0x10;
	v47 =	vadd.f32 v35, v47;
	v37 =	vld.idx.msk [tilespmem:v34+s21+$0x0], $0xffff  }
0x1e5: {  	v34 =	vmul.f32 v45, v40  }
0x1e6: {  	v45 =	vmul.f32 v46, v41  }
0x1e7: {  	v46 =	vmul.f32 v47, v42;
	v34 =	vadd.f32 v33, v34  }
0x1e8: {  	v40 =	vadd.f32 v30, v45  }
0x1e9: {  	v36 =	vmul.f32 v28, v36;
	v47 =	vadd.f32 v29, v46;
	v34 =	vadd.f32 v34, v38  }
0x1ea: {  	v1 =	vld.idx.msk [tilespmem:v1+s21+$0x0], $0xffff;
	v40 =	vadd.f32 v40, v44  }
0x1eb: {  	v0 =	vld.idx.msk [tilespmem:v0+s21+$0x0], $0xffff;
	v48 =	vadd.f32 v47, v36;
	[tilespmem:s23+$0xFFFFFFE0] =	vst v34  }
0x1ec: {  	[tilespmem:s23+$0xFFFFFFF0] =	vst v40;
	v15 =	vld.idx.msk [tilespmem:v15+s21+$0x0], $0xffff  }
0x1ed: {  	v13 =	vld.idx.msk [tilespmem:v13+s21+$0x0], $0xffff;
	[tilespmem:s23+$0x0] =	vst v48  }
0x1ee: {  	v10 =	vmul.f32 v10, v39;
	v31 =	vmul.f32 v31, v43;
	v11 =	vld.idx.msk [tilespmem:v11+s21+$0x0], $0xffff  }
0x1ef: {  	v19 =	vld.idx.msk [tilespmem:v19+s21+$0x0], $0xffff;
	v6 =	vmul.f32 v6, v39;
	v25 =	vmul.f32 v25, v37  }
0x1f0: {  	v5 =	vadd.f32 v5, v10;
	v51 =	vmul.f32 v27, v37;
	v3 =	vadd.f32 v3, v31;
	v12 =	vld.idx.msk [tilespmem:v12+s21+$0x0], $0xffff  }
0x1f1: {  	v1 =	vmul.f32 v21, v1;
	v24 =	vadd.f32 v24, v25;
	v8 =	vld.idx.msk [tilespmem:v8+s21+$0x0], $0xffff;
	v49 =	vmul.f32 v18, v15  }
0x1f2: {  	v0 =	vmul.f32 v5, v0;
	v3 =	vadd.f32 v3, v17;
	v9 =	vld.idx.msk [tilespmem:v9+s21+$0x0], $0xffff;
	v52 =	vmul.f32 v20, v13  }
0x1f3: {  	v1 =	vadd.f32 v2, v1;
	v53 =	vmul.f32 v32, v11;
	v10 =	vadd.f32 v23, v49  }
0x1f4: {  	v19 =	vmul.f32 v24, v19;
	v0 =	vadd.f32 v4, v0;
	v55 =	vadd.f32 v22, v52  }
0x1f5: {  	v1 =	vadd.f32 v1, v7;
	v57 =	vadd.f32 v35, v53;
	v56 =	vmul.f32 v10, v12  }
0x1f6: {  	v50 =	vadd.f32 v26, v19;
	v0 =	vadd.f32 v0, v6;
	v59 =	vmul.f32 v55, v8  }
0x1f7: {  	[tilespmem:s14+$0xFFFFFFE0] =	vst v3;
	v58 =	vmul.f32 v16, v15;
	v60 =	vmul.f32 v57, v9;
	v2 =	vadd.f32 v33, v56  }
0x1f8: {  	s1 =	sadd.s32 $0x40, s14;
	[tilespmem:s22+$0xFFFFFFF0] =	vst v1;
	v54 =	vadd.f32 v50, v51;
	v61 =	vmul.f32 v14, v13;
	v4 =	vadd.f32 v30, v59  }
0x1f9: {  	s11 =	sshll.u32 s11, $0xE;
	s30 =	simm.s32 $0x1D800;
	s4 =	sadd.s32 $0x1, s4;
	[tilespmem:s22+$0x0] =	vst v0;
	v62 =	vmul.f32 v28, v11;
	v3 =	vadd.f32 v29, v60;
	v2 =	vadd.f32 v2, v58  }
0x1fa: {  	s5 =	sadd.s32 $0x1000, s5;
	s6 =	sadd.s32 $0x1000, s6;
	s11 =	sadd.s32 s0, s11;
	[tilespmem:s1+$0x10] =	vst v54;
	v63 =	vadd.f32 v4, v61  }
0x1fb: {  	s7 =	sadd.s32 $0x1000, s7;
	p0 =	sne.s32 s4, $0x4;
	s12 =	sor.u32 s2, s11;
	v1 =	vadd.f32 v3, v62;
	[tilespmem:s1+$0xFFFFFFE0] =	vst v2  }
.Ltmp5:
0x1fc: {  	s25 =	sor.u32 s13, s11;
	s12 =	sshrl.u32 s12, $0x3;
	[tilespmem:s1+$0xFFFFFFF0] =	vst v63;
	(pc) =	sbr.rel @p0 .LBB2_9-.Ltmp5, $4  }
0x1fd: {  	s8 =	sadd.s32 $0x1000, s8;
	s24 =	sadd.s32 s3, s12;
	[tilespmem:s1+$0x0] =	vst v1;
	s1 =	sshrl.u32 s25, $0x3  }
0x1fe: {  	[hbm4b:s24+s15] =	stream.strided.scatter [tilespmem:s28], [sflag:$0x4], $0x800, s16, s15, $0x38;
	[tilespmem:$0x1E000] =	vst v63  }
0x1ff: {  	s9 =	sadd.s32 $0x1000, s9;
	s10 =	sadd.s32 $0x1000, s10;
	s1 =	sadd.s32 s3, s1  }
0x200: {  	[hbm4b:s1+s15] =	stream.strided.scatter [tilespmem:s30], [sflag:$0x4], $0x800, s16, s15, $0x38;
	[tilespmem:$0x1E000] =	vst v63  }
0x201: {  	s31 =	sadd.s32 $0x1, s31  }
0x202: {  	p0 =	sne.s32 s31, $0x8  }
.Ltmp6:
0x203: {  	_ = 	snop;
	(pc) =	sbr.rel @p0 .LBB2_2-.Ltmp6, $1  }
0x204: {  	_ =	sdelay $0x3  }
0x205: {  	_ =	swait.ge [sflag:s19], $0x800  }
0x206: {  	[sflag:s19] =	ssyncset.done $0x0  }
0x207: {  	[sflag:s19] =	ssyncadd.s32 $0xFFFFF800  }
0x208: {  	_ =	swait.ge [sflag:s19], $0x800  }
0x209: {  	[sflag:s19] =	ssyncset.done $0x0  }
0x20a: {  	[sflag:s19] =	ssyncadd.s32 $0xFFFFF800  }
0x20b: {  	_ =	swait.ge [sflag:s29], $0x800  }
0x20c: {  	[sflag:s29] =	ssyncset.done $0x0  }
0x20d: {  	[sflag:s29] =	ssyncadd.s32 $0xFFFFF800  }
0x20e: {  	_ =	swait.ge [sflag:s29], $0x800  }
0x20f: {  	s1 =	rddreg [dreg:$0xc]  }
0x210: {  	s0 =	rddreg [dreg:$0xb];
	s1 =	sadd.s32 $0x1, s1  }
0x211: {  	p0 =	sne.s32 s1, s0  }
.Ltmp7:
0x212: {  	_ = 	snop;
	(pc) =	sbr.rel @p0 .LBB2_1-.Ltmp7, $3  }
0x213: {  	_ =	sdelay $0x1  }
0x214: {  	[sflag:s29] =	ssyncset.done $0x0  }
0x215: {  	[sflag:s29] =	ssyncadd.s32 $0xFFFFF800  }
0x216: {  	_ =	sfence.sel $0x180000  }
0x217: {  	[bflag:$0x0] =	sbarrier.arrive $0xFFFF  }
0x218: {  	_ =	strace $0x90000047  }
0x219: {  	s0 =	stileid.u32;
	[bflag:$0x2] =	sbarrier.arrive $0xFFFF  }
0x21a: {  	p0 =	sne.s32 s0, $0x0;
	s0 =	rddreg [dreg:$0x3]  }
0x21b: {  	s0 =	sadd.s32 @!p0 $0x100000, s0  }
0x21c: {  	[sflag:s0] =	ssyncadd.tile.s32 @!p0 $0x1;
	_ =	shalt  }
.Lfunc_end2:
_tile_overlayer_lowered:
.L_overlay_start_2:
0x21d: {  	(tag) =	ssettag $0x2  }
0x21e: {  	s0 =	rddreg [dreg:$0x0];
	s2 =	stileid.u32  }
0x21f: {  	s1 =	rddreg [dreg:$0x1];
	p0 =	sne.s32 s2, $0x0  }
0x220: {  	s3 =	rddreg [dreg:$0x2];
	[bflag:$0x3] =	sbarrier.arrive $0xFFFF;
	s2 =	simm.s32 @!p0 $0x1C05  }
0x221: {  	[timem:s3], [sflag:s2] =	dma.local @!p0 [hbm:s0], s1  }
0x222: {  	s0 =	simm.s32 @!p0 $0x5  }
0x223: {  	_ =	swait.ge @!p0 [sflag:s0], s1  }
0x224: {  	s1 =	ssub.s32 @!p0 $0x0, s1;
	[sflag:s0] =	ssyncset.done @!p0 $0x0  }
0x225: {  	[sflag:s0] =	ssyncadd.s32 @!p0 s1  }
0x226: {  	[bflag:$0x3] =	sbarrier.arrive $0xFFFF  }
0x227: {  	_ =	shalt  }

</sc_bundles>
